<compile_context>
chip_gen: v7x
topology: tpu7x:2x2x1
jax: 0.10.2.dev20260603
libtpu: 0.0.44.dev20260713+nightly
codegen_flags: <defaults>
</compile_context>

<pallas_src>
import functools

import jax
import jax.numpy as jnp
from jax import lax
from jax.experimental import pallas as pl
from jax.experimental.pallas import tpu as pltpu
from jax.experimental.pallas import tpu_sc as plsc

_CHUNK = 128
_DP = 128


def _sc_gather(table, idx3d, n_out, nbuf):
    rows_w = idx3d.shape[1]

    mesh = plsc.VectorSubcoreMesh(core_axis_name="c", subcore_axis_name="s")

    @functools.partial(
        pl.kernel,
        out_type=jax.ShapeDtypeStruct((n_out, _DP), jnp.float32),
        mesh=mesh,
        compiler_params=pltpu.CompilerParams(use_tc_tiling_on_sc=False),
        scratch_types=[
            pltpu.VMEM((rows_w, _CHUNK), jnp.int32),
            pltpu.VMEM((nbuf, _CHUNK, _DP), jnp.float32),
            pltpu.SemaphoreType.DMA,
            pltpu.SemaphoreType.DMA,
        ],
    )
    def sc_kernel(tab_hbm, idx_hbm, out_hbm, idx_v, rows_v, gsem, wsem):
        wid = lax.axis_index("s") * 2 + lax.axis_index("c")
        pltpu.sync_copy(idx_hbm.at[wid], idx_v)
        base = wid * rows_w * _CHUNK

        @pl.loop(0, rows_w, step=nbuf)
        def _(c0):
            gathers = [
                pltpu.async_copy(tab_hbm.at[idx_v.at[c0 + b]], rows_v.at[b],
                                 gsem)
                for b in range(nbuf)
            ]
            for cp in gathers:
                cp.wait()
            writes = [
                pltpu.async_copy(
                    rows_v.at[b],
                    out_hbm.at[pl.ds(base + (c0 + b) * _CHUNK, _CHUNK)],
                    wsem)
                for b in range(nbuf)
            ]
            for cp in writes:
                cp.wait()

    return sc_kernel(table, idx3d)


def _tc_scores(art_rows, lab_rows, batch, k, bb):
    nb = batch // bb
    rows_o = bb // 128

    def body(a_ref, g_ref, dots_ref, norm_ref):
        i = pl.program_id(0)
        j = pl.program_id(1)
        a = a_ref[...]
        g = g_ref[...]
        p = a * g
        ones_row = jnp.ones((1, _DP), dtype=jnp.float32)
        s = jax.lax.dot_general(ones_row, p, (((1,), (1,)), ((), ())),
                                preferred_element_type=jnp.float32)
        dots_ref[...] = s.reshape(rows_o, 128)

        @pl.when(jnp.logical_and(i == 0, j == 0))
        def _():
            norm_ref[...] = jnp.zeros_like(norm_ref)

        @pl.when(j == 0)
        def _():
            norm_ref[...] += jnp.reshape(jnp.sum(a * a) + jnp.sum(g * g),
                                         (1, 1))

    dots, norm = pl.pallas_call(
        body,
        grid=(nb, k),
        in_specs=[
            pl.BlockSpec((bb, _DP), lambda i, j: (i, 0)),
            pl.BlockSpec((bb, _DP), lambda i, j: (j * nb + i, 0)),
        ],
        out_specs=[
            pl.BlockSpec((rows_o, 128), lambda i, j: (j * nb + i, 0)),
            pl.BlockSpec((1, 1), lambda i, j: (0, 0)),
        ],
        out_shape=[
            jax.ShapeDtypeStruct((k * batch // 128, 128), jnp.float32),
            jax.ShapeDtypeStruct((1, 1), jnp.float32),
        ],
    )(art_rows, lab_rows)
    return dots, norm


def kernel(art_embed, lab_embed, artist_idx, label_idx, noise_idxs):
    batch = artist_idx.shape[0]
    d = art_embed.shape[1]
    n_neg = noise_idxs.shape[1]
    k = n_neg + 1

    lab_p = jnp.pad(lab_embed, ((0, 0), (0, _DP - d)))
    art_p = jnp.pad(art_embed, ((0, 0), (0, _DP - d)))

    lab_all = jnp.concatenate(
        [label_idx[None, :], noise_idxs.T.astype(jnp.int32)], axis=0)
    lab_idx3d = lab_all.reshape(32, -1, _CHUNK)
    art_idx3d = artist_idx.astype(jnp.int32).reshape(32, -1, _CHUNK)

    lab_rows = _sc_gather(lab_p, lab_idx3d, k * batch, nbuf=7)
    art_rows = _sc_gather(art_p, art_idx3d, batch, nbuf=4)

    dots, norm = _tc_scores(art_rows, lab_rows, batch, k, bb=2048)

    dots2 = dots.reshape(k, batch)
    scores = dots2[0][:, None]
    noise_scores = dots2[1:].T
    embed_norm = norm[0, 0] / jnp.float32(batch * d)
    return scores, noise_scores, embed_norm

# --- scband reference (transcript-rebuilt; emitter-appended) ---
"""Pipeline reference for scband-word2-vec-61177514164691 (READ-ONLY COPY).

The authoritative reference and input builder live on the scoring server;
editing this copy changes nothing except your own understanding.
"""

import jax, jax.numpy as jnp
import numpy as np

N_ARTISTS = 1000000
N_LABELS = 100000
EMBED_DIM = 64
BATCH = 16384
N_NEG = 20

def setup_inputs(seed: int = 0) -> dict:
    key = jax.random.key(seed)
    k1, k2, k3, k4, k5 = jax.random.split(key, 5)
    init_range = 0.5 / EMBED_DIM
    art_embed = jax.random.uniform(k1, (N_ARTISTS, EMBED_DIM), dtype=jnp.float32, minval=-init_range, maxval=init_range)
    lab_embed = jax.random.uniform(k2, (N_LABELS, EMBED_DIM), dtype=jnp.float32, minval=-init_range, maxval=init_range)
    artist_idx = jax.random.randint(k3, (BATCH,), 0, N_ARTISTS, dtype=jnp.int64 if jax.config.jax_enable_x64 else jnp.int32).astype(jnp.int32)
    label_idx = jax.random.randint(k4, (BATCH,), 0, N_LABELS, dtype=jnp.int32)
    noise_idxs = jax.random.randint(k5, (BATCH, N_NEG), 0, N_LABELS, dtype=jnp.int32)
    return {"art_embed": art_embed, "lab_embed": lab_embed, "artist_idx": artist_idx, "label_idx": label_idx, "noise_idxs": noise_idxs}

def reference(art_embed, lab_embed, artist_idx, label_idx, noise_idxs):
    art_embeds = jnp.take(art_embed, artist_idx, axis=0)
    lab_embeds = jnp.take(lab_embed, label_idx, axis=0)
    noise_embeds = jnp.take(lab_embed, noise_idxs, axis=0)
    embed_norm = jnp.mean(jnp.power(art_embeds, 2.0)) + jnp.mean(jnp.power(lab_embeds, 2.0))
    scores = jnp.sum(art_embeds * lab_embeds, axis=1, keepdims=True)
    noise_scores = jnp.sum(art_embeds[:, None] * noise_embeds, axis=2)
    return (scores, noise_scores, embed_norm)

if __name__ == "__main__":
    import jax
    _d = setup_inputs()
    print(jax.jit(kernel)(*tuple(_d.values())))

</pallas_src>

<mosaic_0001>
#map = affine_map<(d0, d1) -> (0, 0)>
#map1 = affine_map<(d0, d1) -> (0, 0, 0)>
module attributes {stable_mosaic.version = 14 : i64} {
  func.func @sc_kernel(%arg0: i32, %arg1: i32, %arg2: memref<1000000x128xf32, #tpu.memory_space<hbm>>, %arg3: memref<32x4x128xi32, #tpu.memory_space<hbm>>, %arg4: memref<16384x128xf32, #tpu.memory_space<hbm>>, %arg5: memref<4x128xi32, #tpu.memory_space<vmem>>, %arg6: memref<4x128x128xf32, #tpu.memory_space<vmem>>, %arg7: memref<!tpu.dma_semaphore, #tpu.memory_space<semaphore_mem>>, %arg8: memref<!tpu.dma_semaphore, #tpu.memory_space<semaphore_mem>>) attributes {dimension_semantics = [#tpu.dimension_semantics<core_parallel>, #tpu.dimension_semantics<subcore_parallel>], iteration_bounds = array<i64: 2, 16>, scalar_prefetch = 0 : i64, scratch_operands = 4 : i64, tpu.core_type = #tpu.core_type<sc_vector_subcore>, window_params = [{transform_indices = #map}, {transform_indices = #map1}, {transform_indices = #map}]} {
    %mul3A = arith.constant 2 : i32
    %mul3A_0 = arith.muli %arg1, %mul3A : i32
    %add3A = arith.addi %mul3A_0, %arg0 : i32
    "tpu.region"() ({
      %run_scoped3A = tpu.sem_alloc : memref<!tpu.dma_semaphore, #tpu.memory_space<semaphore_mem>>
      %dma_start3A_228 = arith.constant 0 : i32
      %dma_start3A_229 = arith.constant 0 : i32
      %dma_start3A_230 = tpu.memref_slice %arg3[%add3A, %dma_start3A_228, %dma_start3A_229] : memref<32x4x128xi32, #tpu.memory_space<hbm>> -> memref<1x4x128xi32, #tpu.memory_space<hbm>>
      %dma_start3A_231 = tpu.memref_squeeze %dma_start3A_230 : memref<1x4x128xi32, #tpu.memory_space<hbm>> -> memref<4x128xi32, #tpu.memory_space<hbm>>
      %dma_start3A_232 = arith.constant 0 : i32
      %dma_start3A_233 = arith.constant 0 : i32
      %dma_start3A_234 = tpu.memref_slice %arg3[%add3A, %dma_start3A_232, %dma_start3A_233] : memref<32x4x128xi32, #tpu.memory_space<hbm>> -> memref<1x4x128xi32, #tpu.memory_space<hbm>>
      %dma_start3A_235 = tpu.memref_squeeze %dma_start3A_234 : memref<1x4x128xi32, #tpu.memory_space<hbm>> -> memref<4x128xi32, #tpu.memory_space<hbm>>
      tpu.enqueue_dma source(%dma_start3A_235 : memref<4x128xi32, #tpu.memory_space<hbm>>) target(%arg5 : memref<4x128xi32, #tpu.memory_space<vmem>>) target_semaphore(%run_scoped3A : memref<!tpu.dma_semaphore, #tpu.memory_space<semaphore_mem>>)
      %dma_wait3A_236 = arith.constant 0 : i32
      %dma_wait3A_237 = arith.constant 0 : i32
      %dma_wait3A_238 = tpu.memref_slice %arg3[%add3A, %dma_wait3A_236, %dma_wait3A_237] : memref<32x4x128xi32, #tpu.memory_space<hbm>> -> memref<1x4x128xi32, #tpu.memory_space<hbm>>
      %dma_wait3A_239 = tpu.memref_squeeze %dma_wait3A_238 : memref<1x4x128xi32, #tpu.memory_space<hbm>> -> memref<4x128xi32, #tpu.memory_space<hbm>>
      %dma_wait3A_240 = arith.constant 0 : i32
      %dma_wait3A_241 = arith.constant 0 : i32
      %dma_wait3A_242 = tpu.memref_slice %arg3[%add3A, %dma_wait3A_240, %dma_wait3A_241] : memref<32x4x128xi32, #tpu.memory_space<hbm>> -> memref<1x4x128xi32, #tpu.memory_space<hbm>>
      %dma_wait3A_243 = tpu.memref_squeeze %dma_wait3A_242 : memref<1x4x128xi32, #tpu.memory_space<hbm>> -> memref<4x128xi32, #tpu.memory_space<hbm>>
      tpu.wait_dma2 semaphore(%run_scoped3A : memref<!tpu.dma_semaphore, #tpu.memory_space<semaphore_mem>>) src(%dma_wait3A_243 : memref<4x128xi32, #tpu.memory_space<hbm>>) dst(%arg5 : memref<4x128xi32, #tpu.memory_space<vmem>>)
      tpu.yield
    }) : () -> ()
    %mul3A_1 = arith.constant 4 : i32
    %mul3A_2 = arith.muli %add3A, %mul3A_1 : i32
    %mul3A_3 = arith.constant 128 : i32
    %mul3A_4 = arith.muli %mul3A_2, %mul3A_3 : i32
    %scan3A = arith.constant 0 : i32
    %mul3A_5 = arith.constant 4 : i32
    %mul3A_6 = arith.muli %scan3A, %mul3A_5 : i32
    %add3A_7 = arith.constant 0 : i32
    %add3A_8 = arith.addi %add3A_7, %mul3A_6 : i32
    %add3A_9 = arith.constant 0 : i32
    %add3A_10 = arith.addi %add3A_8, %add3A_9 : i32
    %dma_start3A = arith.constant 0 : i32
    %dma_start3A_11 = arith.constant 0 : i32
    %dma_start3A_12 = arith.constant 0 : i32
    %dma_start3A_13 = tpu.memref_slice %arg6[%dma_start3A, %dma_start3A_11, %dma_start3A_12] : memref<4x128x128xf32, #tpu.memory_space<vmem>> -> memref<1x128x128xf32, #tpu.memory_space<vmem>>
    %dma_start3A_14 = tpu.memref_squeeze %dma_start3A_13 : memref<1x128x128xf32, #tpu.memory_space<vmem>> -> memref<128x128xf32, #tpu.memory_space<vmem>>
    %dma_start3A_15 = arith.constant 0 : i32
    %dma_start3A_16 = tpu.memref_slice %arg5[%add3A_10, %dma_start3A_15] : memref<4x128xi32, #tpu.memory_space<vmem>> -> memref<1x128xi32, #tpu.memory_space<vmem>>
    %dma_start3A_17 = tpu.memref_squeeze %dma_start3A_16 : memref<1x128xi32, #tpu.memory_space<vmem>> -> memref<128xi32, #tpu.memory_space<vmem>>
    %dma_start3A_18 = arith.constant 0 : i32
    %dma_start3A_19 = arith.constant 0 : i32
    %dma_start3A_20 = tpu.memref_slice %arg2[%dma_start3A_18, %dma_start3A_19] : memref<1000000x128xf32, #tpu.memory_space<hbm>> -> memref<1000000x128xf32, #tpu.memory_space<hbm>>
    tpu.enqueue_indirect_dma source(%dma_start3A_20 : memref<1000000x128xf32, #tpu.memory_space<hbm>>) target(%dma_start3A_14 : memref<128x128xf32, #tpu.memory_space<vmem>>) offsets(%dma_start3A_17 : memref<128xi32, #tpu.memory_space<vmem>>) semaphore(%arg7 : memref<!tpu.dma_semaphore, #tpu.memory_space<semaphore_mem>>)
    %add3A_21 = arith.constant 1 : i32
    %add3A_22 = arith.addi %add3A_8, %add3A_21 : i32
    %dma_start3A_23 = arith.constant 1 : i32
    %dma_start3A_24 = arith.constant 0 : i32
    %dma_start3A_25 = arith.constant 0 : i32
    %dma_start3A_26 = tpu.memref_slice %arg6[%dma_start3A_23, %dma_start3A_24, %dma_start3A_25] : memref<4x128x128xf32, #tpu.memory_space<vmem>> -> memref<1x128x128xf32, #tpu.memory_space<vmem>>
    %dma_start3A_27 = tpu.memref_squeeze %dma_start3A_26 : memref<1x128x128xf32, #tpu.memory_space<vmem>> -> memref<128x128xf32, #tpu.memory_space<vmem>>
    %dma_start3A_28 = arith.constant 0 : i32
    %dma_start3A_29 = tpu.memref_slice %arg5[%add3A_22, %dma_start3A_28] : memref<4x128xi32, #tpu.memory_space<vmem>> -> memref<1x128xi32, #tpu.memory_space<vmem>>
    %dma_start3A_30 = tpu.memref_squeeze %dma_start3A_29 : memref<1x128xi32, #tpu.memory_space<vmem>> -> memref<128xi32, #tpu.memory_space<vmem>>
    %dma_start3A_31 = arith.constant 0 : i32
    %dma_start3A_32 = arith.constant 0 : i32
    %dma_start3A_33 = tpu.memref_slice %arg2[%dma_start3A_31, %dma_start3A_32] : memref<1000000x128xf32, #tpu.memory_space<hbm>> -> memref<1000000x128xf32, #tpu.memory_space<hbm>>
    tpu.enqueue_indirect_dma source(%dma_start3A_33 : memref<1000000x128xf32, #tpu.memory_space<hbm>>) target(%dma_start3A_27 : memref<128x128xf32, #tpu.memory_space<vmem>>) offsets(%dma_start3A_30 : memref<128xi32, #tpu.memory_space<vmem>>) semaphore(%arg7 : memref<!tpu.dma_semaphore, #tpu.memory_space<semaphore_mem>>)
    %add3A_34 = arith.constant 2 : i32
    %add3A_35 = arith.addi %add3A_8, %add3A_34 : i32
    %dma_start3A_36 = arith.constant 2 : i32
    %dma_start3A_37 = arith.constant 0 : i32
    %dma_start3A_38 = arith.constant 0 : i32
    %dma_start3A_39 = tpu.memref_slice %arg6[%dma_start3A_36, %dma_start3A_37, %dma_start3A_38] : memref<4x128x128xf32, #tpu.memory_space<vmem>> -> memref<1x128x128xf32, #tpu.memory_space<vmem>>
    %dma_start3A_40 = tpu.memref_squeeze %dma_start3A_39 : memref<1x128x128xf32, #tpu.memory_space<vmem>> -> memref<128x128xf32, #tpu.memory_space<vmem>>
    %dma_start3A_41 = arith.constant 0 : i32
    %dma_start3A_42 = tpu.memref_slice %arg5[%add3A_35, %dma_start3A_41] : memref<4x128xi32, #tpu.memory_space<vmem>> -> memref<1x128xi32, #tpu.memory_space<vmem>>
    %dma_start3A_43 = tpu.memref_squeeze %dma_start3A_42 : memref<1x128xi32, #tpu.memory_space<vmem>> -> memref<128xi32, #tpu.memory_space<vmem>>
    %dma_start3A_44 = arith.constant 0 : i32
    %dma_start3A_45 = arith.constant 0 : i32
    %dma_start3A_46 = tpu.memref_slice %arg2[%dma_start3A_44, %dma_start3A_45] : memref<1000000x128xf32, #tpu.memory_space<hbm>> -> memref<1000000x128xf32, #tpu.memory_space<hbm>>
    tpu.enqueue_indirect_dma source(%dma_start3A_46 : memref<1000000x128xf32, #tpu.memory_space<hbm>>) target(%dma_start3A_40 : memref<128x128xf32, #tpu.memory_space<vmem>>) offsets(%dma_start3A_43 : memref<128xi32, #tpu.memory_space<vmem>>) semaphore(%arg7 : memref<!tpu.dma_semaphore, #tpu.memory_space<semaphore_mem>>)
    %add3A_47 = arith.constant 3 : i32
    %add3A_48 = arith.addi %add3A_8, %add3A_47 : i32
    %dma_start3A_49 = arith.constant 3 : i32
    %dma_start3A_50 = arith.constant 0 : i32
    %dma_start3A_51 = arith.constant 0 : i32
    %dma_start3A_52 = tpu.memref_slice %arg6[%dma_start3A_49, %dma_start3A_50, %dma_start3A_51] : memref<4x128x128xf32, #tpu.memory_space<vmem>> -> memref<1x128x128xf32, #tpu.memory_space<vmem>>
    %dma_start3A_53 = tpu.memref_squeeze %dma_start3A_52 : memref<1x128x128xf32, #tpu.memory_space<vmem>> -> memref<128x128xf32, #tpu.memory_space<vmem>>
    %dma_start3A_54 = arith.constant 0 : i32
    %dma_start3A_55 = tpu.memref_slice %arg5[%add3A_48, %dma_start3A_54] : memref<4x128xi32, #tpu.memory_space<vmem>> -> memref<1x128xi32, #tpu.memory_space<vmem>>
    %dma_start3A_56 = tpu.memref_squeeze %dma_start3A_55 : memref<1x128xi32, #tpu.memory_space<vmem>> -> memref<128xi32, #tpu.memory_space<vmem>>
    %dma_start3A_57 = arith.constant 0 : i32
    %dma_start3A_58 = arith.constant 0 : i32
    %dma_start3A_59 = tpu.memref_slice %arg2[%dma_start3A_57, %dma_start3A_58] : memref<1000000x128xf32, #tpu.memory_space<hbm>> -> memref<1000000x128xf32, #tpu.memory_space<hbm>>
    tpu.enqueue_indirect_dma source(%dma_start3A_59 : memref<1000000x128xf32, #tpu.memory_space<hbm>>) target(%dma_start3A_53 : memref<128x128xf32, #tpu.memory_space<vmem>>) offsets(%dma_start3A_56 : memref<128xi32, #tpu.memory_space<vmem>>) semaphore(%arg7 : memref<!tpu.dma_semaphore, #tpu.memory_space<semaphore_mem>>)
    %dma_wait3A = arith.constant 0 : i32
    %dma_wait3A_60 = arith.constant 0 : i32
    %dma_wait3A_61 = arith.constant 0 : i32
    %dma_wait3A_62 = tpu.memref_slice %arg6[%dma_wait3A, %dma_wait3A_60, %dma_wait3A_61] : memref<4x128x128xf32, #tpu.memory_space<vmem>> -> memref<1x128x128xf32, #tpu.memory_space<vmem>>
    %dma_wait3A_63 = tpu.memref_squeeze %dma_wait3A_62 : memref<1x128x128xf32, #tpu.memory_space<vmem>> -> memref<128x128xf32, #tpu.memory_space<vmem>>
    %dma_wait3A_64 = arith.constant 0 : i32
    %dma_wait3A_65 = tpu.memref_slice %arg5[%add3A_10, %dma_wait3A_64] : memref<4x128xi32, #tpu.memory_space<vmem>> -> memref<1x128xi32, #tpu.memory_space<vmem>>
    %dma_wait3A_66 = tpu.memref_squeeze %dma_wait3A_65 : memref<1x128xi32, #tpu.memory_space<vmem>> -> memref<128xi32, #tpu.memory_space<vmem>>
    %dma_wait3A_67 = arith.constant 0 : i32
    %dma_wait3A_68 = arith.constant 0 : i32
    %dma_wait3A_69 = tpu.memref_slice %arg2[%dma_wait3A_67, %dma_wait3A_68] : memref<1000000x128xf32, #tpu.memory_space<hbm>> -> memref<1000000x128xf32, #tpu.memory_space<hbm>>
    tpu.wait_indirect_dma semaphore(%arg7 : memref<!tpu.dma_semaphore, #tpu.memory_space<semaphore_mem>>) src(%dma_wait3A_69 : memref<1000000x128xf32, #tpu.memory_space<hbm>>) dst(%dma_wait3A_63 : memref<128x128xf32, #tpu.memory_space<vmem>>)
    %dma_wait3A_70 = arith.constant 1 : i32
    %dma_wait3A_71 = arith.constant 0 : i32
    %dma_wait3A_72 = arith.constant 0 : i32
    %dma_wait3A_73 = tpu.memref_slice %arg6[%dma_wait3A_70, %dma_wait3A_71, %dma_wait3A_72] : memref<4x128x128xf32, #tpu.memory_space<vmem>> -> memref<1x128x128xf32, #tpu.memory_space<vmem>>
    %dma_wait3A_74 = tpu.memref_squeeze %dma_wait3A_73 : memref<1x128x128xf32, #tpu.memory_space<vmem>> -> memref<128x128xf32, #tpu.memory_space<vmem>>
    %dma_wait3A_75 = arith.constant 0 : i32
    %dma_wait3A_76 = tpu.memref_slice %arg5[%add3A_22, %dma_wait3A_75] : memref<4x128xi32, #tpu.memory_space<vmem>> -> memref<1x128xi32, #tpu.memory_space<vmem>>
    %dma_wait3A_77 = tpu.memref_squeeze %dma_wait3A_76 : memref<1x128xi32, #tpu.memory_space<vmem>> -> memref<128xi32, #tpu.memory_space<vmem>>
    %dma_wait3A_78 = arith.constant 0 : i32
    %dma_wait3A_79 = arith.constant 0 : i32
    %dma_wait3A_80 = tpu.memref_slice %arg2[%dma_wait3A_78, %dma_wait3A_79] : memref<1000000x128xf32, #tpu.memory_space<hbm>> -> memref<1000000x128xf32, #tpu.memory_space<hbm>>
    tpu.wait_indirect_dma semaphore(%arg7 : memref<!tpu.dma_semaphore, #tpu.memory_space<semaphore_mem>>) src(%dma_wait3A_80 : memref<1000000x128xf32, #tpu.memory_space<hbm>>) dst(%dma_wait3A_74 : memref<128x128xf32, #tpu.memory_space<vmem>>)
    %dma_wait3A_81 = arith.constant 2 : i32
    %dma_wait3A_82 = arith.constant 0 : i32
    %dma_wait3A_83 = arith.constant 0 : i32
    %dma_wait3A_84 = tpu.memref_slice %arg6[%dma_wait3A_81, %dma_wait3A_82, %dma_wait3A_83] : memref<4x128x128xf32, #tpu.memory_space<vmem>> -> memref<1x128x128xf32, #tpu.memory_space<vmem>>
    %dma_wait3A_85 = tpu.memref_squeeze %dma_wait3A_84 : memref<1x128x128xf32, #tpu.memory_space<vmem>> -> memref<128x128xf32, #tpu.memory_space<vmem>>
    %dma_wait3A_86 = arith.constant 0 : i32
    %dma_wait3A_87 = tpu.memref_slice %arg5[%add3A_35, %dma_wait3A_86] : memref<4x128xi32, #tpu.memory_space<vmem>> -> memref<1x128xi32, #tpu.memory_space<vmem>>
    %dma_wait3A_88 = tpu.memref_squeeze %dma_wait3A_87 : memref<1x128xi32, #tpu.memory_space<vmem>> -> memref<128xi32, #tpu.memory_space<vmem>>
    %dma_wait3A_89 = arith.constant 0 : i32
    %dma_wait3A_90 = arith.constant 0 : i32
    %dma_wait3A_91 = tpu.memref_slice %arg2[%dma_wait3A_89, %dma_wait3A_90] : memref<1000000x128xf32, #tpu.memory_space<hbm>> -> memref<1000000x128xf32, #tpu.memory_space<hbm>>
    tpu.wait_indirect_dma semaphore(%arg7 : memref<!tpu.dma_semaphore, #tpu.memory_space<semaphore_mem>>) src(%dma_wait3A_91 : memref<1000000x128xf32, #tpu.memory_space<hbm>>) dst(%dma_wait3A_85 : memref<128x128xf32, #tpu.memory_space<vmem>>)
    %dma_wait3A_92 = arith.constant 3 : i32
    %dma_wait3A_93 = arith.constant 0 : i32
    %dma_wait3A_94 = arith.constant 0 : i32
    %dma_wait3A_95 = tpu.memref_slice %arg6[%dma_wait3A_92, %dma_wait3A_93, %dma_wait3A_94] : memref<4x128x128xf32, #tpu.memory_space<vmem>> -> memref<1x128x128xf32, #tpu.memory_space<vmem>>
    %dma_wait3A_96 = tpu.memref_squeeze %dma_wait3A_95 : memref<1x128x128xf32, #tpu.memory_space<vmem>> -> memref<128x128xf32, #tpu.memory_space<vmem>>
    %dma_wait3A_97 = arith.constant 0 : i32
    %dma_wait3A_98 = tpu.memref_slice %arg5[%add3A_48, %dma_wait3A_97] : memref<4x128xi32, #tpu.memory_space<vmem>> -> memref<1x128xi32, #tpu.memory_space<vmem>>
    %dma_wait3A_99 = tpu.memref_squeeze %dma_wait3A_98 : memref<1x128xi32, #tpu.memory_space<vmem>> -> memref<128xi32, #tpu.memory_space<vmem>>
    %dma_wait3A_100 = arith.constant 0 : i32
    %dma_wait3A_101 = arith.constant 0 : i32
    %dma_wait3A_102 = tpu.memref_slice %arg2[%dma_wait3A_100, %dma_wait3A_101] : memref<1000000x128xf32, #tpu.memory_space<hbm>> -> memref<1000000x128xf32, #tpu.memory_space<hbm>>
    tpu.wait_indirect_dma semaphore(%arg7 : memref<!tpu.dma_semaphore, #tpu.memory_space<semaphore_mem>>) src(%dma_wait3A_102 : memref<1000000x128xf32, #tpu.memory_space<hbm>>) dst(%dma_wait3A_96 : memref<128x128xf32, #tpu.memory_space<vmem>>)
    %add3A_103 = arith.constant 0 : i32
    %add3A_104 = arith.addi %add3A_8, %add3A_103 : i32
    %mul3A_105 = arith.constant 128 : i32
    %mul3A_106 = arith.muli %add3A_104, %mul3A_105 : i32
    %add3A_107 = arith.addi %mul3A_4, %mul3A_106 : i32
    %dma_start3A_108 = arith.constant 0 : i32
    %dma_start3A_109 = arith.constant 0 : i32
    %dma_start3A_110 = arith.constant 0 : i32
    %dma_start3A_111 = tpu.memref_slice %arg6[%dma_start3A_108, %dma_start3A_109, %dma_start3A_110] : memref<4x128x128xf32, #tpu.memory_space<vmem>> -> memref<1x128x128xf32, #tpu.memory_space<vmem>>
    %dma_start3A_112 = tpu.memref_squeeze %dma_start3A_111 : memref<1x128x128xf32, #tpu.memory_space<vmem>> -> memref<128x128xf32, #tpu.memory_space<vmem>>
    %dma_start3A_113 = arith.constant 0 : i32
    %dma_start3A_114 = tpu.memref_slice %arg4[%add3A_107, %dma_start3A_113] : memref<16384x128xf32, #tpu.memory_space<hbm>> -> memref<128x128xf32, #tpu.memory_space<hbm>>
    %dma_start3A_115 = arith.constant 0 : i32
    %dma_start3A_116 = tpu.memref_slice %arg4[%add3A_107, %dma_start3A_115] : memref<16384x128xf32, #tpu.memory_space<hbm>> -> memref<128x128xf32, #tpu.memory_space<hbm>>
    %dma_start3A_117 = arith.constant 0 : i32
    %dma_start3A_118 = arith.constant 0 : i32
    %dma_start3A_119 = tpu.memref_slice %arg6[%dma_start3A_108, %dma_start3A_117, %dma_start3A_118] : memref<4x128x128xf32, #tpu.memory_space<vmem>> -> memref<1x128x128xf32, #tpu.memory_space<vmem>>
    %dma_start3A_120 = tpu.memref_squeeze %dma_start3A_119 : memref<1x128x128xf32, #tpu.memory_space<vmem>> -> memref<128x128xf32, #tpu.memory_space<vmem>>
    tpu.enqueue_dma source(%dma_start3A_120 : memref<128x128xf32, #tpu.memory_space<vmem>>) target(%dma_start3A_116 : memref<128x128xf32, #tpu.memory_space<hbm>>) target_semaphore(%arg8 : memref<!tpu.dma_semaphore, #tpu.memory_space<semaphore_mem>>)
    %add3A_121 = arith.constant 1 : i32
    %add3A_122 = arith.addi %add3A_8, %add3A_121 : i32
    %mul3A_123 = arith.constant 128 : i32
    %mul3A_124 = arith.muli %add3A_122, %mul3A_123 : i32
    %add3A_125 = arith.addi %mul3A_4, %mul3A_124 : i32
    %dma_start3A_126 = arith.constant 1 : i32
    %dma_start3A_127 = arith.constant 0 : i32
    %dma_start3A_128 = arith.constant 0 : i32
    %dma_start3A_129 = tpu.memref_slice %arg6[%dma_start3A_126, %dma_start3A_127, %dma_start3A_128] : memref<4x128x128xf32, #tpu.memory_space<vmem>> -> memref<1x128x128xf32, #tpu.memory_space<vmem>>
    %dma_start3A_130 = tpu.memref_squeeze %dma_start3A_129 : memref<1x128x128xf32, #tpu.memory_space<vmem>> -> memref<128x128xf32, #tpu.memory_space<vmem>>
    %dma_start3A_131 = arith.constant 0 : i32
    %dma_start3A_132 = tpu.memref_slice %arg4[%add3A_125, %dma_start3A_131] : memref<16384x128xf32, #tpu.memory_space<hbm>> -> memref<128x128xf32, #tpu.memory_space<hbm>>
    %dma_start3A_133 = arith.constant 0 : i32
    %dma_start3A_134 = tpu.memref_slice %arg4[%add3A_125, %dma_start3A_133] : memref<16384x128xf32, #tpu.memory_space<hbm>> -> memref<128x128xf32, #tpu.memory_space<hbm>>
    %dma_start3A_135 = arith.constant 0 : i32
    %dma_start3A_136 = arith.constant 0 : i32
    %dma_start3A_137 = tpu.memref_slice %arg6[%dma_start3A_126, %dma_start3A_135, %dma_start3A_136] : memref<4x128x128xf32, #tpu.memory_space<vmem>> -> memref<1x128x128xf32, #tpu.memory_space<vmem>>
    %dma_start3A_138 = tpu.memref_squeeze %dma_start3A_137 : memref<1x128x128xf32, #tpu.memory_space<vmem>> -> memref<128x128xf32, #tpu.memory_space<vmem>>
    tpu.enqueue_dma source(%dma_start3A_138 : memref<128x128xf32, #tpu.memory_space<vmem>>) target(%dma_start3A_134 : memref<128x128xf32, #tpu.memory_space<hbm>>) target_semaphore(%arg8 : memref<!tpu.dma_semaphore, #tpu.memory_space<semaphore_mem>>)
    %add3A_139 = arith.constant 2 : i32
    %add3A_140 = arith.addi %add3A_8, %add3A_139 : i32
    %mul3A_141 = arith.constant 128 : i32
    %mul3A_142 = arith.muli %add3A_140, %mul3A_141 : i32
    %add3A_143 = arith.addi %mul3A_4, %mul3A_142 : i32
    %dma_start3A_144 = arith.constant 2 : i32
    %dma_start3A_145 = arith.constant 0 : i32
    %dma_start3A_146 = arith.constant 0 : i32
    %dma_start3A_147 = tpu.memref_slice %arg6[%dma_start3A_144, %dma_start3A_145, %dma_start3A_146] : memref<4x128x128xf32, #tpu.memory_space<vmem>> -> memref<1x128x128xf32, #tpu.memory_space<vmem>>
    %dma_start3A_148 = tpu.memref_squeeze %dma_start3A_147 : memref<1x128x128xf32, #tpu.memory_space<vmem>> -> memref<128x128xf32, #tpu.memory_space<vmem>>
    %dma_start3A_149 = arith.constant 0 : i32
    %dma_start3A_150 = tpu.memref_slice %arg4[%add3A_143, %dma_start3A_149] : memref<16384x128xf32, #tpu.memory_space<hbm>> -> memref<128x128xf32, #tpu.memory_space<hbm>>
    %dma_start3A_151 = arith.constant 0 : i32
    %dma_start3A_152 = tpu.memref_slice %arg4[%add3A_143, %dma_start3A_151] : memref<16384x128xf32, #tpu.memory_space<hbm>> -> memref<128x128xf32, #tpu.memory_space<hbm>>
    %dma_start3A_153 = arith.constant 0 : i32
    %dma_start3A_154 = arith.constant 0 : i32
    %dma_start3A_155 = tpu.memref_slice %arg6[%dma_start3A_144, %dma_start3A_153, %dma_start3A_154] : memref<4x128x128xf32, #tpu.memory_space<vmem>> -> memref<1x128x128xf32, #tpu.memory_space<vmem>>
    %dma_start3A_156 = tpu.memref_squeeze %dma_start3A_155 : memref<1x128x128xf32, #tpu.memory_space<vmem>> -> memref<128x128xf32, #tpu.memory_space<vmem>>
    tpu.enqueue_dma source(%dma_start3A_156 : memref<128x128xf32, #tpu.memory_space<vmem>>) target(%dma_start3A_152 : memref<128x128xf32, #tpu.memory_space<hbm>>) target_semaphore(%arg8 : memref<!tpu.dma_semaphore, #tpu.memory_space<semaphore_mem>>)
    %add3A_157 = arith.constant 3 : i32
    %add3A_158 = arith.addi %add3A_8, %add3A_157 : i32
    %mul3A_159 = arith.constant 128 : i32
    %mul3A_160 = arith.muli %add3A_158, %mul3A_159 : i32
    %add3A_161 = arith.addi %mul3A_4, %mul3A_160 : i32
    %dma_start3A_162 = arith.constant 3 : i32
    %dma_start3A_163 = arith.constant 0 : i32
    %dma_start3A_164 = arith.constant 0 : i32
    %dma_start3A_165 = tpu.memref_slice %arg6[%dma_start3A_162, %dma_start3A_163, %dma_start3A_164] : memref<4x128x128xf32, #tpu.memory_space<vmem>> -> memref<1x128x128xf32, #tpu.memory_space<vmem>>
    %dma_start3A_166 = tpu.memref_squeeze %dma_start3A_165 : memref<1x128x128xf32, #tpu.memory_space<vmem>> -> memref<128x128xf32, #tpu.memory_space<vmem>>
    %dma_start3A_167 = arith.constant 0 : i32
    %dma_start3A_168 = tpu.memref_slice %arg4[%add3A_161, %dma_start3A_167] : memref<16384x128xf32, #tpu.memory_space<hbm>> -> memref<128x128xf32, #tpu.memory_space<hbm>>
    %dma_start3A_169 = arith.constant 0 : i32
    %dma_start3A_170 = tpu.memref_slice %arg4[%add3A_161, %dma_start3A_169] : memref<16384x128xf32, #tpu.memory_space<hbm>> -> memref<128x128xf32, #tpu.memory_space<hbm>>
    %dma_start3A_171 = arith.constant 0 : i32
    %dma_start3A_172 = arith.constant 0 : i32
    %dma_start3A_173 = tpu.memref_slice %arg6[%dma_start3A_162, %dma_start3A_171, %dma_start3A_172] : memref<4x128x128xf32, #tpu.memory_space<vmem>> -> memref<1x128x128xf32, #tpu.memory_space<vmem>>
    %dma_start3A_174 = tpu.memref_squeeze %dma_start3A_173 : memref<1x128x128xf32, #tpu.memory_space<vmem>> -> memref<128x128xf32, #tpu.memory_space<vmem>>
    tpu.enqueue_dma source(%dma_start3A_174 : memref<128x128xf32, #tpu.memory_space<vmem>>) target(%dma_start3A_170 : memref<128x128xf32, #tpu.memory_space<hbm>>) target_semaphore(%arg8 : memref<!tpu.dma_semaphore, #tpu.memory_space<semaphore_mem>>)
    %dma_wait3A_175 = arith.constant 0 : i32
    %dma_wait3A_176 = arith.constant 0 : i32
    %dma_wait3A_177 = arith.constant 0 : i32
    %dma_wait3A_178 = tpu.memref_slice %arg6[%dma_wait3A_175, %dma_wait3A_176, %dma_wait3A_177] : memref<4x128x128xf32, #tpu.memory_space<vmem>> -> memref<1x128x128xf32, #tpu.memory_space<vmem>>
    %dma_wait3A_179 = tpu.memref_squeeze %dma_wait3A_178 : memref<1x128x128xf32, #tpu.memory_space<vmem>> -> memref<128x128xf32, #tpu.memory_space<vmem>>
    %dma_wait3A_180 = arith.constant 0 : i32
    %dma_wait3A_181 = tpu.memref_slice %arg4[%add3A_107, %dma_wait3A_180] : memref<16384x128xf32, #tpu.memory_space<hbm>> -> memref<128x128xf32, #tpu.memory_space<hbm>>
    %dma_wait3A_182 = arith.constant 0 : i32
    %dma_wait3A_183 = tpu.memref_slice %arg4[%add3A_107, %dma_wait3A_182] : memref<16384x128xf32, #tpu.memory_space<hbm>> -> memref<128x128xf32, #tpu.memory_space<hbm>>
    %dma_wait3A_184 = arith.constant 0 : i32
    %dma_wait3A_185 = arith.constant 0 : i32
    %dma_wait3A_186 = tpu.memref_slice %arg6[%dma_wait3A_175, %dma_wait3A_184, %dma_wait3A_185] : memref<4x128x128xf32, #tpu.memory_space<vmem>> -> memref<1x128x128xf32, #tpu.memory_space<vmem>>
    %dma_wait3A_187 = tpu.memref_squeeze %dma_wait3A_186 : memref<1x128x128xf32, #tpu.memory_space<vmem>> -> memref<128x128xf32, #tpu.memory_space<vmem>>
    tpu.wait_dma2 semaphore(%arg8 : memref<!tpu.dma_semaphore, #tpu.memory_space<semaphore_mem>>) src(%dma_wait3A_187 : memref<128x128xf32, #tpu.memory_space<vmem>>) dst(%dma_wait3A_183 : memref<128x128xf32, #tpu.memory_space<hbm>>)
    %dma_wait3A_188 = arith.constant 1 : i32
    %dma_wait3A_189 = arith.constant 0 : i32
    %dma_wait3A_190 = arith.constant 0 : i32
    %dma_wait3A_191 = tpu.memref_slice %arg6[%dma_wait3A_188, %dma_wait3A_189, %dma_wait3A_190] : memref<4x128x128xf32, #tpu.memory_space<vmem>> -> memref<1x128x128xf32, #tpu.memory_space<vmem>>
    %dma_wait3A_192 = tpu.memref_squeeze %dma_wait3A_191 : memref<1x128x128xf32, #tpu.memory_space<vmem>> -> memref<128x128xf32, #tpu.memory_space<vmem>>
    %dma_wait3A_193 = arith.constant 0 : i32
    %dma_wait3A_194 = tpu.memref_slice %arg4[%add3A_125, %dma_wait3A_193] : memref<16384x128xf32, #tpu.memory_space<hbm>> -> memref<128x128xf32, #tpu.memory_space<hbm>>
    %dma_wait3A_195 = arith.constant 0 : i32
    %dma_wait3A_196 = tpu.memref_slice %arg4[%add3A_125, %dma_wait3A_195] : memref<16384x128xf32, #tpu.memory_space<hbm>> -> memref<128x128xf32, #tpu.memory_space<hbm>>
    %dma_wait3A_197 = arith.constant 0 : i32
    %dma_wait3A_198 = arith.constant 0 : i32
    %dma_wait3A_199 = tpu.memref_slice %arg6[%dma_wait3A_188, %dma_wait3A_197, %dma_wait3A_198] : memref<4x128x128xf32, #tpu.memory_space<vmem>> -> memref<1x128x128xf32, #tpu.memory_space<vmem>>
    %dma_wait3A_200 = tpu.memref_squeeze %dma_wait3A_199 : memref<1x128x128xf32, #tpu.memory_space<vmem>> -> memref<128x128xf32, #tpu.memory_space<vmem>>
    tpu.wait_dma2 semaphore(%arg8 : memref<!tpu.dma_semaphore, #tpu.memory_space<semaphore_mem>>) src(%dma_wait3A_200 : memref<128x128xf32, #tpu.memory_space<vmem>>) dst(%dma_wait3A_196 : memref<128x128xf32, #tpu.memory_space<hbm>>)
    %dma_wait3A_201 = arith.constant 2 : i32
    %dma_wait3A_202 = arith.constant 0 : i32
    %dma_wait3A_203 = arith.constant 0 : i32
    %dma_wait3A_204 = tpu.memref_slice %arg6[%dma_wait3A_201, %dma_wait3A_202, %dma_wait3A_203] : memref<4x128x128xf32, #tpu.memory_space<vmem>> -> memref<1x128x128xf32, #tpu.memory_space<vmem>>
    %dma_wait3A_205 = tpu.memref_squeeze %dma_wait3A_204 : memref<1x128x128xf32, #tpu.memory_space<vmem>> -> memref<128x128xf32, #tpu.memory_space<vmem>>
    %dma_wait3A_206 = arith.constant 0 : i32
    %dma_wait3A_207 = tpu.memref_slice %arg4[%add3A_143, %dma_wait3A_206] : memref<16384x128xf32, #tpu.memory_space<hbm>> -> memref<128x128xf32, #tpu.memory_space<hbm>>
    %dma_wait3A_208 = arith.constant 0 : i32
    %dma_wait3A_209 = tpu.memref_slice %arg4[%add3A_143, %dma_wait3A_208] : memref<16384x128xf32, #tpu.memory_space<hbm>> -> memref<128x128xf32, #tpu.memory_space<hbm>>
    %dma_wait3A_210 = arith.constant 0 : i32
    %dma_wait3A_211 = arith.constant 0 : i32
    %dma_wait3A_212 = tpu.memref_slice %arg6[%dma_wait3A_201, %dma_wait3A_210, %dma_wait3A_211] : memref<4x128x128xf32, #tpu.memory_space<vmem>> -> memref<1x128x128xf32, #tpu.memory_space<vmem>>
    %dma_wait3A_213 = tpu.memref_squeeze %dma_wait3A_212 : memref<1x128x128xf32, #tpu.memory_space<vmem>> -> memref<128x128xf32, #tpu.memory_space<vmem>>
    tpu.wait_dma2 semaphore(%arg8 : memref<!tpu.dma_semaphore, #tpu.memory_space<semaphore_mem>>) src(%dma_wait3A_213 : memref<128x128xf32, #tpu.memory_space<vmem>>) dst(%dma_wait3A_209 : memref<128x128xf32, #tpu.memory_space<hbm>>)
    %dma_wait3A_214 = arith.constant 3 : i32
    %dma_wait3A_215 = arith.constant 0 : i32
    %dma_wait3A_216 = arith.constant 0 : i32
    %dma_wait3A_217 = tpu.memref_slice %arg6[%dma_wait3A_214, %dma_wait3A_215, %dma_wait3A_216] : memref<4x128x128xf32, #tpu.memory_space<vmem>> -> memref<1x128x128xf32, #tpu.memory_space<vmem>>
    %dma_wait3A_218 = tpu.memref_squeeze %dma_wait3A_217 : memref<1x128x128xf32, #tpu.memory_space<vmem>> -> memref<128x128xf32, #tpu.memory_space<vmem>>
    %dma_wait3A_219 = arith.constant 0 : i32
    %dma_wait3A_220 = tpu.memref_slice %arg4[%add3A_161, %dma_wait3A_219] : memref<16384x128xf32, #tpu.memory_space<hbm>> -> memref<128x128xf32, #tpu.memory_space<hbm>>
    %dma_wait3A_221 = arith.constant 0 : i32
    %dma_wait3A_222 = tpu.memref_slice %arg4[%add3A_161, %dma_wait3A_221] : memref<16384x128xf32, #tpu.memory_space<hbm>> -> memref<128x128xf32, #tpu.memory_space<hbm>>
    %dma_wait3A_223 = arith.constant 0 : i32
    %dma_wait3A_224 = arith.constant 0 : i32
    %dma_wait3A_225 = tpu.memref_slice %arg6[%dma_wait3A_214, %dma_wait3A_223, %dma_wait3A_224] : memref<4x128x128xf32, #tpu.memory_space<vmem>> -> memref<1x128x128xf32, #tpu.memory_space<vmem>>
    %dma_wait3A_226 = tpu.memref_squeeze %dma_wait3A_225 : memref<1x128x128xf32, #tpu.memory_space<vmem>> -> memref<128x128xf32, #tpu.memory_space<vmem>>
    tpu.wait_dma2 semaphore(%arg8 : memref<!tpu.dma_semaphore, #tpu.memory_space<semaphore_mem>>) src(%dma_wait3A_226 : memref<128x128xf32, #tpu.memory_space<vmem>>) dst(%dma_wait3A_222 : memref<128x128xf32, #tpu.memory_space<hbm>>)
    %scan3A_227 = arith.constant 1 : i32
    return
  }
}

#map = affine_map<(d0, d1) -> (0, 0)>
#map1 = affine_map<(d0, d1) -> (0, 0, 0)>
module attributes {stable_mosaic.version = 14 : i64} {
  func.func @sc_kernel(%arg0: i32, %arg1: i32, %arg2: memref<100000x128xf32, #tpu.memory_space<hbm>>, %arg3: memref<32x84x128xi32, #tpu.memory_space<hbm>>, %arg4: memref<344064x128xf32, #tpu.memory_space<hbm>>, %arg5: memref<84x128xi32, #tpu.memory_space<vmem>>, %arg6: memref<7x128x128xf32, #tpu.memory_space<vmem>>, %arg7: memref<!tpu.dma_semaphore, #tpu.memory_space<semaphore_mem>>, %arg8: memref<!tpu.dma_semaphore, #tpu.memory_space<semaphore_mem>>) attributes {dimension_semantics = [#tpu.dimension_semantics<core_parallel>, #tpu.dimension_semantics<subcore_parallel>], iteration_bounds = array<i64: 2, 16>, scalar_prefetch = 0 : i64, scratch_operands = 4 : i64, tpu.core_type = #tpu.core_type<sc_vector_subcore>, window_params = [{transform_indices = #map}, {transform_indices = #map1}, {transform_indices = #map}]} {
    %mul3A = arith.constant 2 : i32
    %mul3A_0 = arith.muli %arg1, %mul3A : i32
    %add3A = arith.addi %mul3A_0, %arg0 : i32
    "tpu.region"() ({
      %run_scoped3A = tpu.sem_alloc : memref<!tpu.dma_semaphore, #tpu.memory_space<semaphore_mem>>
      %dma_start3A = arith.constant 0 : i32
      %dma_start3A_9 = arith.constant 0 : i32
      %dma_start3A_10 = tpu.memref_slice %arg3[%add3A, %dma_start3A, %dma_start3A_9] : memref<32x84x128xi32, #tpu.memory_space<hbm>> -> memref<1x84x128xi32, #tpu.memory_space<hbm>>
      %dma_start3A_11 = tpu.memref_squeeze %dma_start3A_10 : memref<1x84x128xi32, #tpu.memory_space<hbm>> -> memref<84x128xi32, #tpu.memory_space<hbm>>
      %dma_start3A_12 = arith.constant 0 : i32
      %dma_start3A_13 = arith.constant 0 : i32
      %dma_start3A_14 = tpu.memref_slice %arg3[%add3A, %dma_start3A_12, %dma_start3A_13] : memref<32x84x128xi32, #tpu.memory_space<hbm>> -> memref<1x84x128xi32, #tpu.memory_space<hbm>>
      %dma_start3A_15 = tpu.memref_squeeze %dma_start3A_14 : memref<1x84x128xi32, #tpu.memory_space<hbm>> -> memref<84x128xi32, #tpu.memory_space<hbm>>
      tpu.enqueue_dma source(%dma_start3A_15 : memref<84x128xi32, #tpu.memory_space<hbm>>) target(%arg5 : memref<84x128xi32, #tpu.memory_space<vmem>>) target_semaphore(%run_scoped3A : memref<!tpu.dma_semaphore, #tpu.memory_space<semaphore_mem>>)
      %dma_wait3A = arith.constant 0 : i32
      %dma_wait3A_16 = arith.constant 0 : i32
      %dma_wait3A_17 = tpu.memref_slice %arg3[%add3A, %dma_wait3A, %dma_wait3A_16] : memref<32x84x128xi32, #tpu.memory_space<hbm>> -> memref<1x84x128xi32, #tpu.memory_space<hbm>>
      %dma_wait3A_18 = tpu.memref_squeeze %dma_wait3A_17 : memref<1x84x128xi32, #tpu.memory_space<hbm>> -> memref<84x128xi32, #tpu.memory_space<hbm>>
      %dma_wait3A_19 = arith.constant 0 : i32
      %dma_wait3A_20 = arith.constant 0 : i32
      %dma_wait3A_21 = tpu.memref_slice %arg3[%add3A, %dma_wait3A_19, %dma_wait3A_20] : memref<32x84x128xi32, #tpu.memory_space<hbm>> -> memref<1x84x128xi32, #tpu.memory_space<hbm>>
      %dma_wait3A_22 = tpu.memref_squeeze %dma_wait3A_21 : memref<1x84x128xi32, #tpu.memory_space<hbm>> -> memref<84x128xi32, #tpu.memory_space<hbm>>
      tpu.wait_dma2 semaphore(%run_scoped3A : memref<!tpu.dma_semaphore, #tpu.memory_space<semaphore_mem>>) src(%dma_wait3A_22 : memref<84x128xi32, #tpu.memory_space<hbm>>) dst(%arg5 : memref<84x128xi32, #tpu.memory_space<vmem>>)
      tpu.yield
    }) : () -> ()
    %mul3A_1 = arith.constant 84 : i32
    %mul3A_2 = arith.muli %add3A, %mul3A_1 : i32
    %mul3A_3 = arith.constant 128 : i32
    %mul3A_4 = arith.muli %mul3A_2, %mul3A_3 : i32
    %scan3A = arith.constant 0 : i32
    %scan3A_5 = arith.constant 12 : i32
    %scan3A_6 = arith.addi %scan3A, %scan3A_5 : i32
    %scan3A_7 = arith.constant 1 : i32
    scf.for %scan3A_9 = %scan3A to %scan3A_6 step %scan3A_7  : i32 {
      %mul3A_10 = arith.constant 7 : i32
      %mul3A_11 = arith.muli %scan3A_9, %mul3A_10 : i32
      %add3A_12 = arith.constant 0 : i32
      %add3A_13 = arith.addi %add3A_12, %mul3A_11 : i32
      %add3A_14 = arith.constant 0 : i32
      %add3A_15 = arith.addi %add3A_13, %add3A_14 : i32
      %dma_start3A = arith.constant 0 : i32
      %dma_start3A_16 = arith.constant 0 : i32
      %dma_start3A_17 = arith.constant 0 : i32
      %dma_start3A_18 = tpu.memref_slice %arg6[%dma_start3A, %dma_start3A_16, %dma_start3A_17] : memref<7x128x128xf32, #tpu.memory_space<vmem>> -> memref<1x128x128xf32, #tpu.memory_space<vmem>>
      %dma_start3A_19 = tpu.memref_squeeze %dma_start3A_18 : memref<1x128x128xf32, #tpu.memory_space<vmem>> -> memref<128x128xf32, #tpu.memory_space<vmem>>
      %dma_start3A_20 = arith.constant 0 : i32
      %dma_start3A_21 = tpu.memref_slice %arg5[%add3A_15, %dma_start3A_20] : memref<84x128xi32, #tpu.memory_space<vmem>> -> memref<1x128xi32, #tpu.memory_space<vmem>>
      %dma_start3A_22 = tpu.memref_squeeze %dma_start3A_21 : memref<1x128xi32, #tpu.memory_space<vmem>> -> memref<128xi32, #tpu.memory_space<vmem>>
      %dma_start3A_23 = arith.constant 0 : i32
      %dma_start3A_24 = arith.constant 0 : i32
      %dma_start3A_25 = tpu.memref_slice %arg2[%dma_start3A_23, %dma_start3A_24] : memref<100000x128xf32, #tpu.memory_space<hbm>> -> memref<100000x128xf32, #tpu.memory_space<hbm>>
      tpu.enqueue_indirect_dma source(%dma_start3A_25 : memref<100000x128xf32, #tpu.memory_space<hbm>>) target(%dma_start3A_19 : memref<128x128xf32, #tpu.memory_space<vmem>>) offsets(%dma_start3A_22 : memref<128xi32, #tpu.memory_space<vmem>>) semaphore(%arg7 : memref<!tpu.dma_semaphore, #tpu.memory_space<semaphore_mem>>)
      %add3A_26 = arith.constant 1 : i32
      %add3A_27 = arith.addi %add3A_13, %add3A_26 : i32
      %dma_start3A_28 = arith.constant 1 : i32
      %dma_start3A_29 = arith.constant 0 : i32
      %dma_start3A_30 = arith.constant 0 : i32
      %dma_start3A_31 = tpu.memref_slice %arg6[%dma_start3A_28, %dma_start3A_29, %dma_start3A_30] : memref<7x128x128xf32, #tpu.memory_space<vmem>> -> memref<1x128x128xf32, #tpu.memory_space<vmem>>
      %dma_start3A_32 = tpu.memref_squeeze %dma_start3A_31 : memref<1x128x128xf32, #tpu.memory_space<vmem>> -> memref<128x128xf32, #tpu.memory_space<vmem>>
      %dma_start3A_33 = arith.constant 0 : i32
      %dma_start3A_34 = tpu.memref_slice %arg5[%add3A_27, %dma_start3A_33] : memref<84x128xi32, #tpu.memory_space<vmem>> -> memref<1x128xi32, #tpu.memory_space<vmem>>
      %dma_start3A_35 = tpu.memref_squeeze %dma_start3A_34 : memref<1x128xi32, #tpu.memory_space<vmem>> -> memref<128xi32, #tpu.memory_space<vmem>>
      %dma_start3A_36 = arith.constant 0 : i32
      %dma_start3A_37 = arith.constant 0 : i32
      %dma_start3A_38 = tpu.memref_slice %arg2[%dma_start3A_36, %dma_start3A_37] : memref<100000x128xf32, #tpu.memory_space<hbm>> -> memref<100000x128xf32, #tpu.memory_space<hbm>>
      tpu.enqueue_indirect_dma source(%dma_start3A_38 : memref<100000x128xf32, #tpu.memory_space<hbm>>) target(%dma_start3A_32 : memref<128x128xf32, #tpu.memory_space<vmem>>) offsets(%dma_start3A_35 : memref<128xi32, #tpu.memory_space<vmem>>) semaphore(%arg7 : memref<!tpu.dma_semaphore, #tpu.memory_space<semaphore_mem>>)
      %add3A_39 = arith.constant 2 : i32
      %add3A_40 = arith.addi %add3A_13, %add3A_39 : i32
      %dma_start3A_41 = arith.constant 2 : i32
      %dma_start3A_42 = arith.constant 0 : i32
      %dma_start3A_43 = arith.constant 0 : i32
      %dma_start3A_44 = tpu.memref_slice %arg6[%dma_start3A_41, %dma_start3A_42, %dma_start3A_43] : memref<7x128x128xf32, #tpu.memory_space<vmem>> -> memref<1x128x128xf32, #tpu.memory_space<vmem>>
      %dma_start3A_45 = tpu.memref_squeeze %dma_start3A_44 : memref<1x128x128xf32, #tpu.memory_space<vmem>> -> memref<128x128xf32, #tpu.memory_space<vmem>>
      %dma_start3A_46 = arith.constant 0 : i32
      %dma_start3A_47 = tpu.memref_slice %arg5[%add3A_40, %dma_start3A_46] : memref<84x128xi32, #tpu.memory_space<vmem>> -> memref<1x128xi32, #tpu.memory_space<vmem>>
      %dma_start3A_48 = tpu.memref_squeeze %dma_start3A_47 : memref<1x128xi32, #tpu.memory_space<vmem>> -> memref<128xi32, #tpu.memory_space<vmem>>
      %dma_start3A_49 = arith.constant 0 : i32
      %dma_start3A_50 = arith.constant 0 : i32
      %dma_start3A_51 = tpu.memref_slice %arg2[%dma_start3A_49, %dma_start3A_50] : memref<100000x128xf32, #tpu.memory_space<hbm>> -> memref<100000x128xf32, #tpu.memory_space<hbm>>
      tpu.enqueue_indirect_dma source(%dma_start3A_51 : memref<100000x128xf32, #tpu.memory_space<hbm>>) target(%dma_start3A_45 : memref<128x128xf32, #tpu.memory_space<vmem>>) offsets(%dma_start3A_48 : memref<128xi32, #tpu.memory_space<vmem>>) semaphore(%arg7 : memref<!tpu.dma_semaphore, #tpu.memory_space<semaphore_mem>>)
      %add3A_52 = arith.constant 3 : i32
      %add3A_53 = arith.addi %add3A_13, %add3A_52 : i32
      %dma_start3A_54 = arith.constant 3 : i32
      %dma_start3A_55 = arith.constant 0 : i32
      %dma_start3A_56 = arith.constant 0 : i32
      %dma_start3A_57 = tpu.memref_slice %arg6[%dma_start3A_54, %dma_start3A_55, %dma_start3A_56] : memref<7x128x128xf32, #tpu.memory_space<vmem>> -> memref<1x128x128xf32, #tpu.memory_space<vmem>>
      %dma_start3A_58 = tpu.memref_squeeze %dma_start3A_57 : memref<1x128x128xf32, #tpu.memory_space<vmem>> -> memref<128x128xf32, #tpu.memory_space<vmem>>
      %dma_start3A_59 = arith.constant 0 : i32
      %dma_start3A_60 = tpu.memref_slice %arg5[%add3A_53, %dma_start3A_59] : memref<84x128xi32, #tpu.memory_space<vmem>> -> memref<1x128xi32, #tpu.memory_space<vmem>>
      %dma_start3A_61 = tpu.memref_squeeze %dma_start3A_60 : memref<1x128xi32, #tpu.memory_space<vmem>> -> memref<128xi32, #tpu.memory_space<vmem>>
      %dma_start3A_62 = arith.constant 0 : i32
      %dma_start3A_63 = arith.constant 0 : i32
      %dma_start3A_64 = tpu.memref_slice %arg2[%dma_start3A_62, %dma_start3A_63] : memref<100000x128xf32, #tpu.memory_space<hbm>> -> memref<100000x128xf32, #tpu.memory_space<hbm>>
      tpu.enqueue_indirect_dma source(%dma_start3A_64 : memref<100000x128xf32, #tpu.memory_space<hbm>>) target(%dma_start3A_58 : memref<128x128xf32, #tpu.memory_space<vmem>>) offsets(%dma_start3A_61 : memref<128xi32, #tpu.memory_space<vmem>>) semaphore(%arg7 : memref<!tpu.dma_semaphore, #tpu.memory_space<semaphore_mem>>)
      %add3A_65 = arith.constant 4 : i32
      %add3A_66 = arith.addi %add3A_13, %add3A_65 : i32
      %dma_start3A_67 = arith.constant 4 : i32
      %dma_start3A_68 = arith.constant 0 : i32
      %dma_start3A_69 = arith.constant 0 : i32
      %dma_start3A_70 = tpu.memref_slice %arg6[%dma_start3A_67, %dma_start3A_68, %dma_start3A_69] : memref<7x128x128xf32, #tpu.memory_space<vmem>> -> memref<1x128x128xf32, #tpu.memory_space<vmem>>
      %dma_start3A_71 = tpu.memref_squeeze %dma_start3A_70 : memref<1x128x128xf32, #tpu.memory_space<vmem>> -> memref<128x128xf32, #tpu.memory_space<vmem>>
      %dma_start3A_72 = arith.constant 0 : i32
      %dma_start3A_73 = tpu.memref_slice %arg5[%add3A_66, %dma_start3A_72] : memref<84x128xi32, #tpu.memory_space<vmem>> -> memref<1x128xi32, #tpu.memory_space<vmem>>
      %dma_start3A_74 = tpu.memref_squeeze %dma_start3A_73 : memref<1x128xi32, #tpu.memory_space<vmem>> -> memref<128xi32, #tpu.memory_space<vmem>>
      %dma_start3A_75 = arith.constant 0 : i32
      %dma_start3A_76 = arith.constant 0 : i32
      %dma_start3A_77 = tpu.memref_slice %arg2[%dma_start3A_75, %dma_start3A_76] : memref<100000x128xf32, #tpu.memory_space<hbm>> -> memref<100000x128xf32, #tpu.memory_space<hbm>>
      tpu.enqueue_indirect_dma source(%dma_start3A_77 : memref<100000x128xf32, #tpu.memory_space<hbm>>) target(%dma_start3A_71 : memref<128x128xf32, #tpu.memory_space<vmem>>) offsets(%dma_start3A_74 : memref<128xi32, #tpu.memory_space<vmem>>) semaphore(%arg7 : memref<!tpu.dma_semaphore, #tpu.memory_space<semaphore_mem>>)
      %add3A_78 = arith.constant 5 : i32
      %add3A_79 = arith.addi %add3A_13, %add3A_78 : i32
      %dma_start3A_80 = arith.constant 5 : i32
      %dma_start3A_81 = arith.constant 0 : i32
      %dma_start3A_82 = arith.constant 0 : i32
      %dma_start3A_83 = tpu.memref_slice %arg6[%dma_start3A_80, %dma_start3A_81, %dma_start3A_82] : memref<7x128x128xf32, #tpu.memory_space<vmem>> -> memref<1x128x128xf32, #tpu.memory_space<vmem>>
      %dma_start3A_84 = tpu.memref_squeeze %dma_start3A_83 : memref<1x128x128xf32, #tpu.memory_space<vmem>> -> memref<128x128xf32, #tpu.memory_space<vmem>>
      %dma_start3A_85 = arith.constant 0 : i32
      %dma_start3A_86 = tpu.memref_slice %arg5[%add3A_79, %dma_start3A_85] : memref<84x128xi32, #tpu.memory_space<vmem>> -> memref<1x128xi32, #tpu.memory_space<vmem>>
      %dma_start3A_87 = tpu.memref_squeeze %dma_start3A_86 : memref<1x128xi32, #tpu.memory_space<vmem>> -> memref<128xi32, #tpu.memory_space<vmem>>
      %dma_start3A_88 = arith.constant 0 : i32
      %dma_start3A_89 = arith.constant 0 : i32
      %dma_start3A_90 = tpu.memref_slice %arg2[%dma_start3A_88, %dma_start3A_89] : memref<100000x128xf32, #tpu.memory_space<hbm>> -> memref<100000x128xf32, #tpu.memory_space<hbm>>
      tpu.enqueue_indirect_dma source(%dma_start3A_90 : memref<100000x128xf32, #tpu.memory_space<hbm>>) target(%dma_start3A_84 : memref<128x128xf32, #tpu.memory_space<vmem>>) offsets(%dma_start3A_87 : memref<128xi32, #tpu.memory_space<vmem>>) semaphore(%arg7 : memref<!tpu.dma_semaphore, #tpu.memory_space<semaphore_mem>>)
      %add3A_91 = arith.constant 6 : i32
      %add3A_92 = arith.addi %add3A_13, %add3A_91 : i32
      %dma_start3A_93 = arith.constant 6 : i32
      %dma_start3A_94 = arith.constant 0 : i32
      %dma_start3A_95 = arith.constant 0 : i32
      %dma_start3A_96 = tpu.memref_slice %arg6[%dma_start3A_93, %dma_start3A_94, %dma_start3A_95] : memref<7x128x128xf32, #tpu.memory_space<vmem>> -> memref<1x128x128xf32, #tpu.memory_space<vmem>>
      %dma_start3A_97 = tpu.memref_squeeze %dma_start3A_96 : memref<1x128x128xf32, #tpu.memory_space<vmem>> -> memref<128x128xf32, #tpu.memory_space<vmem>>
      %dma_start3A_98 = arith.constant 0 : i32
      %dma_start3A_99 = tpu.memref_slice %arg5[%add3A_92, %dma_start3A_98] : memref<84x128xi32, #tpu.memory_space<vmem>> -> memref<1x128xi32, #tpu.memory_space<vmem>>
      %dma_start3A_100 = tpu.memref_squeeze %dma_start3A_99 : memref<1x128xi32, #tpu.memory_space<vmem>> -> memref<128xi32, #tpu.memory_space<vmem>>
      %dma_start3A_101 = arith.constant 0 : i32
      %dma_start3A_102 = arith.constant 0 : i32
      %dma_start3A_103 = tpu.memref_slice %arg2[%dma_start3A_101, %dma_start3A_102] : memref<100000x128xf32, #tpu.memory_space<hbm>> -> memref<100000x128xf32, #tpu.memory_space<hbm>>
      tpu.enqueue_indirect_dma source(%dma_start3A_103 : memref<100000x128xf32, #tpu.memory_space<hbm>>) target(%dma_start3A_97 : memref<128x128xf32, #tpu.memory_space<vmem>>) offsets(%dma_start3A_100 : memref<128xi32, #tpu.memory_space<vmem>>) semaphore(%arg7 : memref<!tpu.dma_semaphore, #tpu.memory_space<semaphore_mem>>)
      %dma_wait3A = arith.constant 0 : i32
      %dma_wait3A_104 = arith.constant 0 : i32
      %dma_wait3A_105 = arith.constant 0 : i32
      %dma_wait3A_106 = tpu.memref_slice %arg6[%dma_wait3A, %dma_wait3A_104, %dma_wait3A_105] : memref<7x128x128xf32, #tpu.memory_space<vmem>> -> memref<1x128x128xf32, #tpu.memory_space<vmem>>
      %dma_wait3A_107 = tpu.memref_squeeze %dma_wait3A_106 : memref<1x128x128xf32, #tpu.memory_space<vmem>> -> memref<128x128xf32, #tpu.memory_space<vmem>>
      %dma_wait3A_108 = arith.constant 0 : i32
      %dma_wait3A_109 = tpu.memref_slice %arg5[%add3A_15, %dma_wait3A_108] : memref<84x128xi32, #tpu.memory_space<vmem>> -> memref<1x128xi32, #tpu.memory_space<vmem>>
      %dma_wait3A_110 = tpu.memref_squeeze %dma_wait3A_109 : memref<1x128xi32, #tpu.memory_space<vmem>> -> memref<128xi32, #tpu.memory_space<vmem>>
      %dma_wait3A_111 = arith.constant 0 : i32
      %dma_wait3A_112 = arith.constant 0 : i32
      %dma_wait3A_113 = tpu.memref_slice %arg2[%dma_wait3A_111, %dma_wait3A_112] : memref<100000x128xf32, #tpu.memory_space<hbm>> -> memref<100000x128xf32, #tpu.memory_space<hbm>>
      tpu.wait_indirect_dma semaphore(%arg7 : memref<!tpu.dma_semaphore, #tpu.memory_space<semaphore_mem>>) src(%dma_wait3A_113 : memref<100000x128xf32, #tpu.memory_space<hbm>>) dst(%dma_wait3A_107 : memref<128x128xf32, #tpu.memory_space<vmem>>)
      %dma_wait3A_114 = arith.constant 1 : i32
      %dma_wait3A_115 = arith.constant 0 : i32
      %dma_wait3A_116 = arith.constant 0 : i32
      %dma_wait3A_117 = tpu.memref_slice %arg6[%dma_wait3A_114, %dma_wait3A_115, %dma_wait3A_116] : memref<7x128x128xf32, #tpu.memory_space<vmem>> -> memref<1x128x128xf32, #tpu.memory_space<vmem>>
      %dma_wait3A_118 = tpu.memref_squeeze %dma_wait3A_117 : memref<1x128x128xf32, #tpu.memory_space<vmem>> -> memref<128x128xf32, #tpu.memory_space<vmem>>
      %dma_wait3A_119 = arith.constant 0 : i32
      %dma_wait3A_120 = tpu.memref_slice %arg5[%add3A_27, %dma_wait3A_119] : memref<84x128xi32, #tpu.memory_space<vmem>> -> memref<1x128xi32, #tpu.memory_space<vmem>>
      %dma_wait3A_121 = tpu.memref_squeeze %dma_wait3A_120 : memref<1x128xi32, #tpu.memory_space<vmem>> -> memref<128xi32, #tpu.memory_space<vmem>>
      %dma_wait3A_122 = arith.constant 0 : i32
      %dma_wait3A_123 = arith.constant 0 : i32
      %dma_wait3A_124 = tpu.memref_slice %arg2[%dma_wait3A_122, %dma_wait3A_123] : memref<100000x128xf32, #tpu.memory_space<hbm>> -> memref<100000x128xf32, #tpu.memory_space<hbm>>
      tpu.wait_indirect_dma semaphore(%arg7 : memref<!tpu.dma_semaphore, #tpu.memory_space<semaphore_mem>>) src(%dma_wait3A_124 : memref<100000x128xf32, #tpu.memory_space<hbm>>) dst(%dma_wait3A_118 : memref<128x128xf32, #tpu.memory_space<vmem>>)
      %dma_wait3A_125 = arith.constant 2 : i32
      %dma_wait3A_126 = arith.constant 0 : i32
      %dma_wait3A_127 = arith.constant 0 : i32
      %dma_wait3A_128 = tpu.memref_slice %arg6[%dma_wait3A_125, %dma_wait3A_126, %dma_wait3A_127] : memref<7x128x128xf32, #tpu.memory_space<vmem>> -> memref<1x128x128xf32, #tpu.memory_space<vmem>>
      %dma_wait3A_129 = tpu.memref_squeeze %dma_wait3A_128 : memref<1x128x128xf32, #tpu.memory_space<vmem>> -> memref<128x128xf32, #tpu.memory_space<vmem>>
      %dma_wait3A_130 = arith.constant 0 : i32
      %dma_wait3A_131 = tpu.memref_slice %arg5[%add3A_40, %dma_wait3A_130] : memref<84x128xi32, #tpu.memory_space<vmem>> -> memref<1x128xi32, #tpu.memory_space<vmem>>
      %dma_wait3A_132 = tpu.memref_squeeze %dma_wait3A_131 : memref<1x128xi32, #tpu.memory_space<vmem>> -> memref<128xi32, #tpu.memory_space<vmem>>
      %dma_wait3A_133 = arith.constant 0 : i32
      %dma_wait3A_134 = arith.constant 0 : i32
      %dma_wait3A_135 = tpu.memref_slice %arg2[%dma_wait3A_133, %dma_wait3A_134] : memref<100000x128xf32, #tpu.memory_space<hbm>> -> memref<100000x128xf32, #tpu.memory_space<hbm>>
      tpu.wait_indirect_dma semaphore(%arg7 : memref<!tpu.dma_semaphore, #tpu.memory_space<semaphore_mem>>) src(%dma_wait3A_135 : memref<100000x128xf32, #tpu.memory_space<hbm>>) dst(%dma_wait3A_129 : memref<128x128xf32, #tpu.memory_space<vmem>>)
      %dma_wait3A_136 = arith.constant 3 : i32
      %dma_wait3A_137 = arith.constant 0 : i32
      %dma_wait3A_138 = arith.constant 0 : i32
      %dma_wait3A_139 = tpu.memref_slice %arg6[%dma_wait3A_136, %dma_wait3A_137, %dma_wait3A_138] : memref<7x128x128xf32, #tpu.memory_space<vmem>> -> memref<1x128x128xf32, #tpu.memory_space<vmem>>
      %dma_wait3A_140 = tpu.memref_squeeze %dma_wait3A_139 : memref<1x128x128xf32, #tpu.memory_space<vmem>> -> memref<128x128xf32, #tpu.memory_space<vmem>>
      %dma_wait3A_141 = arith.constant 0 : i32
      %dma_wait3A_142 = tpu.memref_slice %arg5[%add3A_53, %dma_wait3A_141] : memref<84x128xi32, #tpu.memory_space<vmem>> -> memref<1x128xi32, #tpu.memory_space<vmem>>
      %dma_wait3A_143 = tpu.memref_squeeze %dma_wait3A_142 : memref<1x128xi32, #tpu.memory_space<vmem>> -> memref<128xi32, #tpu.memory_space<vmem>>
      %dma_wait3A_144 = arith.constant 0 : i32
      %dma_wait3A_145 = arith.constant 0 : i32
      %dma_wait3A_146 = tpu.memref_slice %arg2[%dma_wait3A_144, %dma_wait3A_145] : memref<100000x128xf32, #tpu.memory_space<hbm>> -> memref<100000x128xf32, #tpu.memory_space<hbm>>
      tpu.wait_indirect_dma semaphore(%arg7 : memref<!tpu.dma_semaphore, #tpu.memory_space<semaphore_mem>>) src(%dma_wait3A_146 : memref<100000x128xf32, #tpu.memory_space<hbm>>) dst(%dma_wait3A_140 : memref<128x128xf32, #tpu.memory_space<vmem>>)
      %dma_wait3A_147 = arith.constant 4 : i32
      %dma_wait3A_148 = arith.constant 0 : i32
      %dma_wait3A_149 = arith.constant 0 : i32
      %dma_wait3A_150 = tpu.memref_slice %arg6[%dma_wait3A_147, %dma_wait3A_148, %dma_wait3A_149] : memref<7x128x128xf32, #tpu.memory_space<vmem>> -> memref<1x128x128xf32, #tpu.memory_space<vmem>>
      %dma_wait3A_151 = tpu.memref_squeeze %dma_wait3A_150 : memref<1x128x128xf32, #tpu.memory_space<vmem>> -> memref<128x128xf32, #tpu.memory_space<vmem>>
      %dma_wait3A_152 = arith.constant 0 : i32
      %dma_wait3A_153 = tpu.memref_slice %arg5[%add3A_66, %dma_wait3A_152] : memref<84x128xi32, #tpu.memory_space<vmem>> -> memref<1x128xi32, #tpu.memory_space<vmem>>
      %dma_wait3A_154 = tpu.memref_squeeze %dma_wait3A_153 : memref<1x128xi32, #tpu.memory_space<vmem>> -> memref<128xi32, #tpu.memory_space<vmem>>
      %dma_wait3A_155 = arith.constant 0 : i32
      %dma_wait3A_156 = arith.constant 0 : i32
      %dma_wait3A_157 = tpu.memref_slice %arg2[%dma_wait3A_155, %dma_wait3A_156] : memref<100000x128xf32, #tpu.memory_space<hbm>> -> memref<100000x128xf32, #tpu.memory_space<hbm>>
      tpu.wait_indirect_dma semaphore(%arg7 : memref<!tpu.dma_semaphore, #tpu.memory_space<semaphore_mem>>) src(%dma_wait3A_157 : memref<100000x128xf32, #tpu.memory_space<hbm>>) dst(%dma_wait3A_151 : memref<128x128xf32, #tpu.memory_space<vmem>>)
      %dma_wait3A_158 = arith.constant 5 : i32
      %dma_wait3A_159 = arith.constant 0 : i32
      %dma_wait3A_160 = arith.constant 0 : i32
      %dma_wait3A_161 = tpu.memref_slice %arg6[%dma_wait3A_158, %dma_wait3A_159, %dma_wait3A_160] : memref<7x128x128xf32, #tpu.memory_space<vmem>> -> memref<1x128x128xf32, #tpu.memory_space<vmem>>
      %dma_wait3A_162 = tpu.memref_squeeze %dma_wait3A_161 : memref<1x128x128xf32, #tpu.memory_space<vmem>> -> memref<128x128xf32, #tpu.memory_space<vmem>>
      %dma_wait3A_163 = arith.constant 0 : i32
      %dma_wait3A_164 = tpu.memref_slice %arg5[%add3A_79, %dma_wait3A_163] : memref<84x128xi32, #tpu.memory_space<vmem>> -> memref<1x128xi32, #tpu.memory_space<vmem>>
      %dma_wait3A_165 = tpu.memref_squeeze %dma_wait3A_164 : memref<1x128xi32, #tpu.memory_space<vmem>> -> memref<128xi32, #tpu.memory_space<vmem>>
      %dma_wait3A_166 = arith.constant 0 : i32
      %dma_wait3A_167 = arith.constant 0 : i32
      %dma_wait3A_168 = tpu.memref_slice %arg2[%dma_wait3A_166, %dma_wait3A_167] : memref<100000x128xf32, #tpu.memory_space<hbm>> -> memref<100000x128xf32, #tpu.memory_space<hbm>>
      tpu.wait_indirect_dma semaphore(%arg7 : memref<!tpu.dma_semaphore, #tpu.memory_space<semaphore_mem>>) src(%dma_wait3A_168 : memref<100000x128xf32, #tpu.memory_space<hbm>>) dst(%dma_wait3A_162 : memref<128x128xf32, #tpu.memory_space<vmem>>)
      %dma_wait3A_169 = arith.constant 6 : i32
      %dma_wait3A_170 = arith.constant 0 : i32
      %dma_wait3A_171 = arith.constant 0 : i32
      %dma_wait3A_172 = tpu.memref_slice %arg6[%dma_wait3A_169, %dma_wait3A_170, %dma_wait3A_171] : memref<7x128x128xf32, #tpu.memory_space<vmem>> -> memref<1x128x128xf32, #tpu.memory_space<vmem>>
      %dma_wait3A_173 = tpu.memref_squeeze %dma_wait3A_172 : memref<1x128x128xf32, #tpu.memory_space<vmem>> -> memref<128x128xf32, #tpu.memory_space<vmem>>
      %dma_wait3A_174 = arith.constant 0 : i32
      %dma_wait3A_175 = tpu.memref_slice %arg5[%add3A_92, %dma_wait3A_174] : memref<84x128xi32, #tpu.memory_space<vmem>> -> memref<1x128xi32, #tpu.memory_space<vmem>>
      %dma_wait3A_176 = tpu.memref_squeeze %dma_wait3A_175 : memref<1x128xi32, #tpu.memory_space<vmem>> -> memref<128xi32, #tpu.memory_space<vmem>>
      %dma_wait3A_177 = arith.constant 0 : i32
      %dma_wait3A_178 = arith.constant 0 : i32
      %dma_wait3A_179 = tpu.memref_slice %arg2[%dma_wait3A_177, %dma_wait3A_178] : memref<100000x128xf32, #tpu.memory_space<hbm>> -> memref<100000x128xf32, #tpu.memory_space<hbm>>
      tpu.wait_indirect_dma semaphore(%arg7 : memref<!tpu.dma_semaphore, #tpu.memory_space<semaphore_mem>>) src(%dma_wait3A_179 : memref<100000x128xf32, #tpu.memory_space<hbm>>) dst(%dma_wait3A_173 : memref<128x128xf32, #tpu.memory_space<vmem>>)
      %add3A_180 = arith.constant 0 : i32
      %add3A_181 = arith.addi %add3A_13, %add3A_180 : i32
      %mul3A_182 = arith.constant 128 : i32
      %mul3A_183 = arith.muli %add3A_181, %mul3A_182 : i32
      %add3A_184 = arith.addi %mul3A_4, %mul3A_183 : i32
      %dma_start3A_185 = arith.constant 0 : i32
      %dma_start3A_186 = arith.constant 0 : i32
      %dma_start3A_187 = arith.constant 0 : i32
      %dma_start3A_188 = tpu.memref_slice %arg6[%dma_start3A_185, %dma_start3A_186, %dma_start3A_187] : memref<7x128x128xf32, #tpu.memory_space<vmem>> -> memref<1x128x128xf32, #tpu.memory_space<vmem>>
      %dma_start3A_189 = tpu.memref_squeeze %dma_start3A_188 : memref<1x128x128xf32, #tpu.memory_space<vmem>> -> memref<128x128xf32, #tpu.memory_space<vmem>>
      %dma_start3A_190 = arith.constant 0 : i32
      %dma_start3A_191 = tpu.memref_slice %arg4[%add3A_184, %dma_start3A_190] : memref<344064x128xf32, #tpu.memory_space<hbm>> -> memref<128x128xf32, #tpu.memory_space<hbm>>
      %dma_start3A_192 = arith.constant 0 : i32
      %dma_start3A_193 = tpu.memref_slice %arg4[%add3A_184, %dma_start3A_192] : memref<344064x128xf32, #tpu.memory_space<hbm>> -> memref<128x128xf32, #tpu.memory_space<hbm>>
      %dma_start3A_194 = arith.constant 0 : i32
      %dma_start3A_195 = arith.constant 0 : i32
      %dma_start3A_196 = tpu.memref_slice %arg6[%dma_start3A_185, %dma_start3A_194, %dma_start3A_195] : memref<7x128x128xf32, #tpu.memory_space<vmem>> -> memref<1x128x128xf32, #tpu.memory_space<vmem>>
      %dma_start3A_197 = tpu.memref_squeeze %dma_start3A_196 : memref<1x128x128xf32, #tpu.memory_space<vmem>> -> memref<128x128xf32, #tpu.memory_space<vmem>>
      tpu.enqueue_dma source(%dma_start3A_197 : memref<128x128xf32, #tpu.memory_space<vmem>>) target(%dma_start3A_193 : memref<128x128xf32, #tpu.memory_space<hbm>>) target_semaphore(%arg8 : memref<!tpu.dma_semaphore, #tpu.memory_space<semaphore_mem>>)
      %add3A_198 = arith.constant 1 : i32
      %add3A_199 = arith.addi %add3A_13, %add3A_198 : i32
      %mul3A_200 = arith.constant 128 : i32
      %mul3A_201 = arith.muli %add3A_199, %mul3A_200 : i32
      %add3A_202 = arith.addi %mul3A_4, %mul3A_201 : i32
      %dma_start3A_203 = arith.constant 1 : i32
      %dma_start3A_204 = arith.constant 0 : i32
      %dma_start3A_205 = arith.constant 0 : i32
      %dma_start3A_206 = tpu.memref_slice %arg6[%dma_start3A_203, %dma_start3A_204, %dma_start3A_205] : memref<7x128x128xf32, #tpu.memory_space<vmem>> -> memref<1x128x128xf32, #tpu.memory_space<vmem>>
      %dma_start3A_207 = tpu.memref_squeeze %dma_start3A_206 : memref<1x128x128xf32, #tpu.memory_space<vmem>> -> memref<128x128xf32, #tpu.memory_space<vmem>>
      %dma_start3A_208 = arith.constant 0 : i32
      %dma_start3A_209 = tpu.memref_slice %arg4[%add3A_202, %dma_start3A_208] : memref<344064x128xf32, #tpu.memory_space<hbm>> -> memref<128x128xf32, #tpu.memory_space<hbm>>
      %dma_start3A_210 = arith.constant 0 : i32
      %dma_start3A_211 = tpu.memref_slice %arg4[%add3A_202, %dma_start3A_210] : memref<344064x128xf32, #tpu.memory_space<hbm>> -> memref<128x128xf32, #tpu.memory_space<hbm>>
      %dma_start3A_212 = arith.constant 0 : i32
      %dma_start3A_213 = arith.constant 0 : i32
      %dma_start3A_214 = tpu.memref_slice %arg6[%dma_start3A_203, %dma_start3A_212, %dma_start3A_213] : memref<7x128x128xf32, #tpu.memory_space<vmem>> -> memref<1x128x128xf32, #tpu.memory_space<vmem>>
      %dma_start3A_215 = tpu.memref_squeeze %dma_start3A_214 : memref<1x128x128xf32, #tpu.memory_space<vmem>> -> memref<128x128xf32, #tpu.memory_space<vmem>>
      tpu.enqueue_dma source(%dma_start3A_215 : memref<128x128xf32, #tpu.memory_space<vmem>>) target(%dma_start3A_211 : memref<128x128xf32, #tpu.memory_space<hbm>>) target_semaphore(%arg8 : memref<!tpu.dma_semaphore, #tpu.memory_space<semaphore_mem>>)
      %add3A_216 = arith.constant 2 : i32
      %add3A_217 = arith.addi %add3A_13, %add3A_216 : i32
      %mul3A_218 = arith.constant 128 : i32
      %mul3A_219 = arith.muli %add3A_217, %mul3A_218 : i32
      %add3A_220 = arith.addi %mul3A_4, %mul3A_219 : i32
      %dma_start3A_221 = arith.constant 2 : i32
      %dma_start3A_222 = arith.constant 0 : i32
      %dma_start3A_223 = arith.constant 0 : i32
      %dma_start3A_224 = tpu.memref_slice %arg6[%dma_start3A_221, %dma_start3A_222, %dma_start3A_223] : memref<7x128x128xf32, #tpu.memory_space<vmem>> -> memref<1x128x128xf32, #tpu.memory_space<vmem>>
      %dma_start3A_225 = tpu.memref_squeeze %dma_start3A_224 : memref<1x128x128xf32, #tpu.memory_space<vmem>> -> memref<128x128xf32, #tpu.memory_space<vmem>>
      %dma_start3A_226 = arith.constant 0 : i32
      %dma_start3A_227 = tpu.memref_slice %arg4[%add3A_220, %dma_start3A_226] : memref<344064x128xf32, #tpu.memory_space<hbm>> -> memref<128x128xf32, #tpu.memory_space<hbm>>
      %dma_start3A_228 = arith.constant 0 : i32
      %dma_start3A_229 = tpu.memref_slice %arg4[%add3A_220, %dma_start3A_228] : memref<344064x128xf32, #tpu.memory_space<hbm>> -> memref<128x128xf32, #tpu.memory_space<hbm>>
      %dma_start3A_230 = arith.constant 0 : i32
      %dma_start3A_231 = arith.constant 0 : i32
      %dma_start3A_232 = tpu.memref_slice %arg6[%dma_start3A_221, %dma_start3A_230, %dma_start3A_231] : memref<7x128x128xf32, #tpu.memory_space<vmem>> -> memref<1x128x128xf32, #tpu.memory_space<vmem>>
      %dma_start3A_233 = tpu.memref_squeeze %dma_start3A_232 : memref<1x128x128xf32, #tpu.memory_space<vmem>> -> memref<128x128xf32, #tpu.memory_space<vmem>>
      tpu.enqueue_dma source(%dma_start3A_233 : memref<128x128xf32, #tpu.memory_space<vmem>>) target(%dma_start3A_229 : memref<128x128xf32, #tpu.memory_space<hbm>>) target_semaphore(%arg8 : memref<!tpu.dma_semaphore, #tpu.memory_space<semaphore_mem>>)
      %add3A_234 = arith.constant 3 : i32
      %add3A_235 = arith.addi %add3A_13, %add3A_234 : i32
      %mul3A_236 = arith.constant 128 : i32
      %mul3A_237 = arith.muli %add3A_235, %mul3A_236 : i32
      %add3A_238 = arith.addi %mul3A_4, %mul3A_237 : i32
      %dma_start3A_239 = arith.constant 3 : i32
      %dma_start3A_240 = arith.constant 0 : i32
      %dma_start3A_241 = arith.constant 0 : i32
      %dma_start3A_242 = tpu.memref_slice %arg6[%dma_start3A_239, %dma_start3A_240, %dma_start3A_241] : memref<7x128x128xf32, #tpu.memory_space<vmem>> -> memref<1x128x128xf32, #tpu.memory_space<vmem>>
      %dma_start3A_243 = tpu.memref_squeeze %dma_start3A_242 : memref<1x128x128xf32, #tpu.memory_space<vmem>> -> memref<128x128xf32, #tpu.memory_space<vmem>>
      %dma_start3A_244 = arith.constant 0 : i32
      %dma_start3A_245 = tpu.memref_slice %arg4[%add3A_238, %dma_start3A_244] : memref<344064x128xf32, #tpu.memory_space<hbm>> -> memref<128x128xf32, #tpu.memory_space<hbm>>
      %dma_start3A_246 = arith.constant 0 : i32
      %dma_start3A_247 = tpu.memref_slice %arg4[%add3A_238, %dma_start3A_246] : memref<344064x128xf32, #tpu.memory_space<hbm>> -> memref<128x128xf32, #tpu.memory_space<hbm>>
      %dma_start3A_248 = arith.constant 0 : i32
      %dma_start3A_249 = arith.constant 0 : i32
      %dma_start3A_250 = tpu.memref_slice %arg6[%dma_start3A_239, %dma_start3A_248, %dma_start3A_249] : memref<7x128x128xf32, #tpu.memory_space<vmem>> -> memref<1x128x128xf32, #tpu.memory_space<vmem>>
      %dma_start3A_251 = tpu.memref_squeeze %dma_start3A_250 : memref<1x128x128xf32, #tpu.memory_space<vmem>> -> memref<128x128xf32, #tpu.memory_space<vmem>>
      tpu.enqueue_dma source(%dma_start3A_251 : memref<128x128xf32, #tpu.memory_space<vmem>>) target(%dma_start3A_247 : memref<128x128xf32, #tpu.memory_space<hbm>>) target_semaphore(%arg8 : memref<!tpu.dma_semaphore, #tpu.memory_space<semaphore_mem>>)
      %add3A_252 = arith.constant 4 : i32
      %add3A_253 = arith.addi %add3A_13, %add3A_252 : i32
      %mul3A_254 = arith.constant 128 : i32
      %mul3A_255 = arith.muli %add3A_253, %mul3A_254 : i32
      %add3A_256 = arith.addi %mul3A_4, %mul3A_255 : i32
      %dma_start3A_257 = arith.constant 4 : i32
      %dma_start3A_258 = arith.constant 0 : i32
      %dma_start3A_259 = arith.constant 0 : i32
      %dma_start3A_260 = tpu.memref_slice %arg6[%dma_start3A_257, %dma_start3A_258, %dma_start3A_259] : memref<7x128x128xf32, #tpu.memory_space<vmem>> -> memref<1x128x128xf32, #tpu.memory_space<vmem>>
      %dma_start3A_261 = tpu.memref_squeeze %dma_start3A_260 : memref<1x128x128xf32, #tpu.memory_space<vmem>> -> memref<128x128xf32, #tpu.memory_space<vmem>>
      %dma_start3A_262 = arith.constant 0 : i32
      %dma_start3A_263 = tpu.memref_slice %arg4[%add3A_256, %dma_start3A_262] : memref<344064x128xf32, #tpu.memory_space<hbm>> -> memref<128x128xf32, #tpu.memory_space<hbm>>
      %dma_start3A_264 = arith.constant 0 : i32
      %dma_start3A_265 = tpu.memref_slice %arg4[%add3A_256, %dma_start3A_264] : memref<344064x128xf32, #tpu.memory_space<hbm>> -> memref<128x128xf32, #tpu.memory_space<hbm>>
      %dma_start3A_266 = arith.constant 0 : i32
      %dma_start3A_267 = arith.constant 0 : i32
      %dma_start3A_268 = tpu.memref_slice %arg6[%dma_start3A_257, %dma_start3A_266, %dma_start3A_267] : memref<7x128x128xf32, #tpu.memory_space<vmem>> -> memref<1x128x128xf32, #tpu.memory_space<vmem>>
      %dma_start3A_269 = tpu.memref_squeeze %dma_start3A_268 : memref<1x128x128xf32, #tpu.memory_space<vmem>> -> memref<128x128xf32, #tpu.memory_space<vmem>>
      tpu.enqueue_dma source(%dma_start3A_269 : memref<128x128xf32, #tpu.memory_space<vmem>>) target(%dma_start3A_265 : memref<128x128xf32, #tpu.memory_space<hbm>>) target_semaphore(%arg8 : memref<!tpu.dma_semaphore, #tpu.memory_space<semaphore_mem>>)
      %add3A_270 = arith.constant 5 : i32
      %add3A_271 = arith.addi %add3A_13, %add3A_270 : i32
      %mul3A_272 = arith.constant 128 : i32
      %mul3A_273 = arith.muli %add3A_271, %mul3A_272 : i32
      %add3A_274 = arith.addi %mul3A_4, %mul3A_273 : i32
      %dma_start3A_275 = arith.constant 5 : i32
      %dma_start3A_276 = arith.constant 0 : i32
      %dma_start3A_277 = arith.constant 0 : i32
      %dma_start3A_278 = tpu.memref_slice %arg6[%dma_start3A_275, %dma_start3A_276, %dma_start3A_277] : memref<7x128x128xf32, #tpu.memory_space<vmem>> -> memref<1x128x128xf32, #tpu.memory_space<vmem>>
      %dma_start3A_279 = tpu.memref_squeeze %dma_start3A_278 : memref<1x128x128xf32, #tpu.memory_space<vmem>> -> memref<128x128xf32, #tpu.memory_space<vmem>>
      %dma_start3A_280 = arith.constant 0 : i32
      %dma_start3A_281 = tpu.memref_slice %arg4[%add3A_274, %dma_start3A_280] : memref<344064x128xf32, #tpu.memory_space<hbm>> -> memref<128x128xf32, #tpu.memory_space<hbm>>
      %dma_start3A_282 = arith.constant 0 : i32
      %dma_start3A_283 = tpu.memref_slice %arg4[%add3A_274, %dma_start3A_282] : memref<344064x128xf32, #tpu.memory_space<hbm>> -> memref<128x128xf32, #tpu.memory_space<hbm>>
      %dma_start3A_284 = arith.constant 0 : i32
      %dma_start3A_285 = arith.constant 0 : i32
      %dma_start3A_286 = tpu.memref_slice %arg6[%dma_start3A_275, %dma_start3A_284, %dma_start3A_285] : memref<7x128x128xf32, #tpu.memory_space<vmem>> -> memref<1x128x128xf32, #tpu.memory_space<vmem>>
      %dma_start3A_287 = tpu.memref_squeeze %dma_start3A_286 : memref<1x128x128xf32, #tpu.memory_space<vmem>> -> memref<128x128xf32, #tpu.memory_space<vmem>>
      tpu.enqueue_dma source(%dma_start3A_287 : memref<128x128xf32, #tpu.memory_space<vmem>>) target(%dma_start3A_283 : memref<128x128xf32, #tpu.memory_space<hbm>>) target_semaphore(%arg8 : memref<!tpu.dma_semaphore, #tpu.memory_space<semaphore_mem>>)
      %add3A_288 = arith.constant 6 : i32
      %add3A_289 = arith.addi %add3A_13, %add3A_288 : i32
      %mul3A_290 = arith.constant 128 : i32
      %mul3A_291 = arith.muli %add3A_289, %mul3A_290 : i32
      %add3A_292 = arith.addi %mul3A_4, %mul3A_291 : i32
      %dma_start3A_293 = arith.constant 6 : i32
      %dma_start3A_294 = arith.constant 0 : i32
      %dma_start3A_295 = arith.constant 0 : i32
      %dma_start3A_296 = tpu.memref_slice %arg6[%dma_start3A_293, %dma_start3A_294, %dma_start3A_295] : memref<7x128x128xf32, #tpu.memory_space<vmem>> -> memref<1x128x128xf32, #tpu.memory_space<vmem>>
      %dma_start3A_297 = tpu.memref_squeeze %dma_start3A_296 : memref<1x128x128xf32, #tpu.memory_space<vmem>> -> memref<128x128xf32, #tpu.memory_space<vmem>>
      %dma_start3A_298 = arith.constant 0 : i32
      %dma_start3A_299 = tpu.memref_slice %arg4[%add3A_292, %dma_start3A_298] : memref<344064x128xf32, #tpu.memory_space<hbm>> -> memref<128x128xf32, #tpu.memory_space<hbm>>
      %dma_start3A_300 = arith.constant 0 : i32
      %dma_start3A_301 = tpu.memref_slice %arg4[%add3A_292, %dma_start3A_300] : memref<344064x128xf32, #tpu.memory_space<hbm>> -> memref<128x128xf32, #tpu.memory_space<hbm>>
      %dma_start3A_302 = arith.constant 0 : i32
      %dma_start3A_303 = arith.constant 0 : i32
      %dma_start3A_304 = tpu.memref_slice %arg6[%dma_start3A_293, %dma_start3A_302, %dma_start3A_303] : memref<7x128x128xf32, #tpu.memory_space<vmem>> -> memref<1x128x128xf32, #tpu.memory_space<vmem>>
      %dma_start3A_305 = tpu.memref_squeeze %dma_start3A_304 : memref<1x128x128xf32, #tpu.memory_space<vmem>> -> memref<128x128xf32, #tpu.memory_space<vmem>>
      tpu.enqueue_dma source(%dma_start3A_305 : memref<128x128xf32, #tpu.memory_space<vmem>>) target(%dma_start3A_301 : memref<128x128xf32, #tpu.memory_space<hbm>>) target_semaphore(%arg8 : memref<!tpu.dma_semaphore, #tpu.memory_space<semaphore_mem>>)
      %dma_wait3A_306 = arith.constant 0 : i32
      %dma_wait3A_307 = arith.constant 0 : i32
      %dma_wait3A_308 = arith.constant 0 : i32
      %dma_wait3A_309 = tpu.memref_slice %arg6[%dma_wait3A_306, %dma_wait3A_307, %dma_wait3A_308] : memref<7x128x128xf32, #tpu.memory_space<vmem>> -> memref<1x128x128xf32, #tpu.memory_space<vmem>>
      %dma_wait3A_310 = tpu.memref_squeeze %dma_wait3A_309 : memref<1x128x128xf32, #tpu.memory_space<vmem>> -> memref<128x128xf32, #tpu.memory_space<vmem>>
      %dma_wait3A_311 = arith.constant 0 : i32
      %dma_wait3A_312 = tpu.memref_slice %arg4[%add3A_184, %dma_wait3A_311] : memref<344064x128xf32, #tpu.memory_space<hbm>> -> memref<128x128xf32, #tpu.memory_space<hbm>>
      %dma_wait3A_313 = arith.constant 0 : i32
      %dma_wait3A_314 = tpu.memref_slice %arg4[%add3A_184, %dma_wait3A_313] : memref<344064x128xf32, #tpu.memory_space<hbm>> -> memref<128x128xf32, #tpu.memory_space<hbm>>
      %dma_wait3A_315 = arith.constant 0 : i32
      %dma_wait3A_316 = arith.constant 0 : i32
      %dma_wait3A_317 = tpu.memref_slice %arg6[%dma_wait3A_306, %dma_wait3A_315, %dma_wait3A_316] : memref<7x128x128xf32, #tpu.memory_space<vmem>> -> memref<1x128x128xf32, #tpu.memory_space<vmem>>
      %dma_wait3A_318 = tpu.memref_squeeze %dma_wait3A_317 : memref<1x128x128xf32, #tpu.memory_space<vmem>> -> memref<128x128xf32, #tpu.memory_space<vmem>>
      tpu.wait_dma2 semaphore(%arg8 : memref<!tpu.dma_semaphore, #tpu.memory_space<semaphore_mem>>) src(%dma_wait3A_318 : memref<128x128xf32, #tpu.memory_space<vmem>>) dst(%dma_wait3A_314 : memref<128x128xf32, #tpu.memory_space<hbm>>)
      %dma_wait3A_319 = arith.constant 1 : i32
      %dma_wait3A_320 = arith.constant 0 : i32
      %dma_wait3A_321 = arith.constant 0 : i32
      %dma_wait3A_322 = tpu.memref_slice %arg6[%dma_wait3A_319, %dma_wait3A_320, %dma_wait3A_321] : memref<7x128x128xf32, #tpu.memory_space<vmem>> -> memref<1x128x128xf32, #tpu.memory_space<vmem>>
      %dma_wait3A_323 = tpu.memref_squeeze %dma_wait3A_322 : memref<1x128x128xf32, #tpu.memory_space<vmem>> -> memref<128x128xf32, #tpu.memory_space<vmem>>
      %dma_wait3A_324 = arith.constant 0 : i32
      %dma_wait3A_325 = tpu.memref_slice %arg4[%add3A_202, %dma_wait3A_324] : memref<344064x128xf32, #tpu.memory_space<hbm>> -> memref<128x128xf32, #tpu.memory_space<hbm>>
      %dma_wait3A_326 = arith.constant 0 : i32
      %dma_wait3A_327 = tpu.memref_slice %arg4[%add3A_202, %dma_wait3A_326] : memref<344064x128xf32, #tpu.memory_space<hbm>> -> memref<128x128xf32, #tpu.memory_space<hbm>>
      %dma_wait3A_328 = arith.constant 0 : i32
      %dma_wait3A_329 = arith.constant 0 : i32
      %dma_wait3A_330 = tpu.memref_slice %arg6[%dma_wait3A_319, %dma_wait3A_328, %dma_wait3A_329] : memref<7x128x128xf32, #tpu.memory_space<vmem>> -> memref<1x128x128xf32, #tpu.memory_space<vmem>>
      %dma_wait3A_331 = tpu.memref_squeeze %dma_wait3A_330 : memref<1x128x128xf32, #tpu.memory_space<vmem>> -> memref<128x128xf32, #tpu.memory_space<vmem>>
      tpu.wait_dma2 semaphore(%arg8 : memref<!tpu.dma_semaphore, #tpu.memory_space<semaphore_mem>>) src(%dma_wait3A_331 : memref<128x128xf32, #tpu.memory_space<vmem>>) dst(%dma_wait3A_327 : memref<128x128xf32, #tpu.memory_space<hbm>>)
      %dma_wait3A_332 = arith.constant 2 : i32
      %dma_wait3A_333 = arith.constant 0 : i32
      %dma_wait3A_334 = arith.constant 0 : i32
      %dma_wait3A_335 = tpu.memref_slice %arg6[%dma_wait3A_332, %dma_wait3A_333, %dma_wait3A_334] : memref<7x128x128xf32, #tpu.memory_space<vmem>> -> memref<1x128x128xf32, #tpu.memory_space<vmem>>
      %dma_wait3A_336 = tpu.memref_squeeze %dma_wait3A_335 : memref<1x128x128xf32, #tpu.memory_space<vmem>> -> memref<128x128xf32, #tpu.memory_space<vmem>>
      %dma_wait3A_337 = arith.constant 0 : i32
      %dma_wait3A_338 = tpu.memref_slice %arg4[%add3A_220, %dma_wait3A_337] : memref<344064x128xf32, #tpu.memory_space<hbm>> -> memref<128x128xf32, #tpu.memory_space<hbm>>
      %dma_wait3A_339 = arith.constant 0 : i32
      %dma_wait3A_340 = tpu.memref_slice %arg4[%add3A_220, %dma_wait3A_339] : memref<344064x128xf32, #tpu.memory_space<hbm>> -> memref<128x128xf32, #tpu.memory_space<hbm>>
      %dma_wait3A_341 = arith.constant 0 : i32
      %dma_wait3A_342 = arith.constant 0 : i32
      %dma_wait3A_343 = tpu.memref_slice %arg6[%dma_wait3A_332, %dma_wait3A_341, %dma_wait3A_342] : memref<7x128x128xf32, #tpu.memory_space<vmem>> -> memref<1x128x128xf32, #tpu.memory_space<vmem>>
      %dma_wait3A_344 = tpu.memref_squeeze %dma_wait3A_343 : memref<1x128x128xf32, #tpu.memory_space<vmem>> -> memref<128x128xf32, #tpu.memory_space<vmem>>
      tpu.wait_dma2 semaphore(%arg8 : memref<!tpu.dma_semaphore, #tpu.memory_space<semaphore_mem>>) src(%dma_wait3A_344 : memref<128x128xf32, #tpu.memory_space<vmem>>) dst(%dma_wait3A_340 : memref<128x128xf32, #tpu.memory_space<hbm>>)
      %dma_wait3A_345 = arith.constant 3 : i32
      %dma_wait3A_346 = arith.constant 0 : i32
      %dma_wait3A_347 = arith.constant 0 : i32
      %dma_wait3A_348 = tpu.memref_slice %arg6[%dma_wait3A_345, %dma_wait3A_346, %dma_wait3A_347] : memref<7x128x128xf32, #tpu.memory_space<vmem>> -> memref<1x128x128xf32, #tpu.memory_space<vmem>>
      %dma_wait3A_349 = tpu.memref_squeeze %dma_wait3A_348 : memref<1x128x128xf32, #tpu.memory_space<vmem>> -> memref<128x128xf32, #tpu.memory_space<vmem>>
      %dma_wait3A_350 = arith.constant 0 : i32
      %dma_wait3A_351 = tpu.memref_slice %arg4[%add3A_238, %dma_wait3A_350] : memref<344064x128xf32, #tpu.memory_space<hbm>> -> memref<128x128xf32, #tpu.memory_space<hbm>>
      %dma_wait3A_352 = arith.constant 0 : i32
      %dma_wait3A_353 = tpu.memref_slice %arg4[%add3A_238, %dma_wait3A_352] : memref<344064x128xf32, #tpu.memory_space<hbm>> -> memref<128x128xf32, #tpu.memory_space<hbm>>
      %dma_wait3A_354 = arith.constant 0 : i32
      %dma_wait3A_355 = arith.constant 0 : i32
      %dma_wait3A_356 = tpu.memref_slice %arg6[%dma_wait3A_345, %dma_wait3A_354, %dma_wait3A_355] : memref<7x128x128xf32, #tpu.memory_space<vmem>> -> memref<1x128x128xf32, #tpu.memory_space<vmem>>
      %dma_wait3A_357 = tpu.memref_squeeze %dma_wait3A_356 : memref<1x128x128xf32, #tpu.memory_space<vmem>> -> memref<128x128xf32, #tpu.memory_space<vmem>>
      tpu.wait_dma2 semaphore(%arg8 : memref<!tpu.dma_semaphore, #tpu.memory_space<semaphore_mem>>) src(%dma_wait3A_357 : memref<128x128xf32, #tpu.memory_space<vmem>>) dst(%dma_wait3A_353 : memref<128x128xf32, #tpu.memory_space<hbm>>)
      %dma_wait3A_358 = arith.constant 4 : i32
      %dma_wait3A_359 = arith.constant 0 : i32
      %dma_wait3A_360 = arith.constant 0 : i32
      %dma_wait3A_361 = tpu.memref_slice %arg6[%dma_wait3A_358, %dma_wait3A_359, %dma_wait3A_360] : memref<7x128x128xf32, #tpu.memory_space<vmem>> -> memref<1x128x128xf32, #tpu.memory_space<vmem>>
      %dma_wait3A_362 = tpu.memref_squeeze %dma_wait3A_361 : memref<1x128x128xf32, #tpu.memory_space<vmem>> -> memref<128x128xf32, #tpu.memory_space<vmem>>
      %dma_wait3A_363 = arith.constant 0 : i32
      %dma_wait3A_364 = tpu.memref_slice %arg4[%add3A_256, %dma_wait3A_363] : memref<344064x128xf32, #tpu.memory_space<hbm>> -> memref<128x128xf32, #tpu.memory_space<hbm>>
      %dma_wait3A_365 = arith.constant 0 : i32
      %dma_wait3A_366 = tpu.memref_slice %arg4[%add3A_256, %dma_wait3A_365] : memref<344064x128xf32, #tpu.memory_space<hbm>> -> memref<128x128xf32, #tpu.memory_space<hbm>>
      %dma_wait3A_367 = arith.constant 0 : i32
      %dma_wait3A_368 = arith.constant 0 : i32
      %dma_wait3A_369 = tpu.memref_slice %arg6[%dma_wait3A_358, %dma_wait3A_367, %dma_wait3A_368] : memref<7x128x128xf32, #tpu.memory_space<vmem>> -> memref<1x128x128xf32, #tpu.memory_space<vmem>>
      %dma_wait3A_370 = tpu.memref_squeeze %dma_wait3A_369 : memref<1x128x128xf32, #tpu.memory_space<vmem>> -> memref<128x128xf32, #tpu.memory_space<vmem>>
      tpu.wait_dma2 semaphore(%arg8 : memref<!tpu.dma_semaphore, #tpu.memory_space<semaphore_mem>>) src(%dma_wait3A_370 : memref<128x128xf32, #tpu.memory_space<vmem>>) dst(%dma_wait3A_366 : memref<128x128xf32, #tpu.memory_space<hbm>>)
      %dma_wait3A_371 = arith.constant 5 : i32
      %dma_wait3A_372 = arith.constant 0 : i32
      %dma_wait3A_373 = arith.constant 0 : i32
      %dma_wait3A_374 = tpu.memref_slice %arg6[%dma_wait3A_371, %dma_wait3A_372, %dma_wait3A_373] : memref<7x128x128xf32, #tpu.memory_space<vmem>> -> memref<1x128x128xf32, #tpu.memory_space<vmem>>
      %dma_wait3A_375 = tpu.memref_squeeze %dma_wait3A_374 : memref<1x128x128xf32, #tpu.memory_space<vmem>> -> memref<128x128xf32, #tpu.memory_space<vmem>>
      %dma_wait3A_376 = arith.constant 0 : i32
      %dma_wait3A_377 = tpu.memref_slice %arg4[%add3A_274, %dma_wait3A_376] : memref<344064x128xf32, #tpu.memory_space<hbm>> -> memref<128x128xf32, #tpu.memory_space<hbm>>
      %dma_wait3A_378 = arith.constant 0 : i32
      %dma_wait3A_379 = tpu.memref_slice %arg4[%add3A_274, %dma_wait3A_378] : memref<344064x128xf32, #tpu.memory_space<hbm>> -> memref<128x128xf32, #tpu.memory_space<hbm>>
      %dma_wait3A_380 = arith.constant 0 : i32
      %dma_wait3A_381 = arith.constant 0 : i32
      %dma_wait3A_382 = tpu.memref_slice %arg6[%dma_wait3A_371, %dma_wait3A_380, %dma_wait3A_381] : memref<7x128x128xf32, #tpu.memory_space<vmem>> -> memref<1x128x128xf32, #tpu.memory_space<vmem>>
      %dma_wait3A_383 = tpu.memref_squeeze %dma_wait3A_382 : memref<1x128x128xf32, #tpu.memory_space<vmem>> -> memref<128x128xf32, #tpu.memory_space<vmem>>
      tpu.wait_dma2 semaphore(%arg8 : memref<!tpu.dma_semaphore, #tpu.memory_space<semaphore_mem>>) src(%dma_wait3A_383 : memref<128x128xf32, #tpu.memory_space<vmem>>) dst(%dma_wait3A_379 : memref<128x128xf32, #tpu.memory_space<hbm>>)
      %dma_wait3A_384 = arith.constant 6 : i32
      %dma_wait3A_385 = arith.constant 0 : i32
      %dma_wait3A_386 = arith.constant 0 : i32
      %dma_wait3A_387 = tpu.memref_slice %arg6[%dma_wait3A_384, %dma_wait3A_385, %dma_wait3A_386] : memref<7x128x128xf32, #tpu.memory_space<vmem>> -> memref<1x128x128xf32, #tpu.memory_space<vmem>>
      %dma_wait3A_388 = tpu.memref_squeeze %dma_wait3A_387 : memref<1x128x128xf32, #tpu.memory_space<vmem>> -> memref<128x128xf32, #tpu.memory_space<vmem>>
      %dma_wait3A_389 = arith.constant 0 : i32
      %dma_wait3A_390 = tpu.memref_slice %arg4[%add3A_292, %dma_wait3A_389] : memref<344064x128xf32, #tpu.memory_space<hbm>> -> memref<128x128xf32, #tpu.memory_space<hbm>>
      %dma_wait3A_391 = arith.constant 0 : i32
      %dma_wait3A_392 = tpu.memref_slice %arg4[%add3A_292, %dma_wait3A_391] : memref<344064x128xf32, #tpu.memory_space<hbm>> -> memref<128x128xf32, #tpu.memory_space<hbm>>
      %dma_wait3A_393 = arith.constant 0 : i32
      %dma_wait3A_394 = arith.constant 0 : i32
      %dma_wait3A_395 = tpu.memref_slice %arg6[%dma_wait3A_384, %dma_wait3A_393, %dma_wait3A_394] : memref<7x128x128xf32, #tpu.memory_space<vmem>> -> memref<1x128x128xf32, #tpu.memory_space<vmem>>
      %dma_wait3A_396 = tpu.memref_squeeze %dma_wait3A_395 : memref<1x128x128xf32, #tpu.memory_space<vmem>> -> memref<128x128xf32, #tpu.memory_space<vmem>>
      tpu.wait_dma2 semaphore(%arg8 : memref<!tpu.dma_semaphore, #tpu.memory_space<semaphore_mem>>) src(%dma_wait3A_396 : memref<128x128xf32, #tpu.memory_space<vmem>>) dst(%dma_wait3A_392 : memref<128x128xf32, #tpu.memory_space<hbm>>)
    }
    %scan3A_8 = arith.constant 12 : i32
    return
  }
}

module attributes {stable_mosaic.version = 14 : i64} {
  func.func @body(%arg0: i32, %arg1: i32, %arg2: memref<2048x128xf32, #tpu.memory_space<vmem>>, %arg3: memref<2048x128xf32, #tpu.memory_space<vmem>>, %arg4: memref<16x128xf32, #tpu.memory_space<vmem>>, %arg5: memref<1x1xf32, #tpu.memory_space<vmem>>) attributes {dimension_semantics = [#tpu.dimension_semantics<arbitrary>, #tpu.dimension_semantics<arbitrary>], iteration_bounds = array<i64: 8, 21>, scalar_prefetch = 0 : i64, scratch_operands = 0 : i64, tpu.core_type = #tpu.core_type<tc>, window_params = [{transform_indices = @transform_0, window_bounds = array<i64: 2048, 128>}, {transform_indices = @transform_1, window_bounds = array<i64: 2048, 128>}, {transform_indices = @transform_2, window_bounds = array<i64: 16, 128>}, {pipeline_mode = #tpu.pipeline_mode<synchronous>, transform_indices = @transform_3, window_bounds = array<i64: 1, 1>}]} {
    %get3A = arith.constant 0 : index
    %get3A_0 = arith.constant 0 : index
    %get3A_1 = vector.load %arg2[%get3A, %get3A_0] : memref<2048x128xf32, #tpu.memory_space<vmem>>, vector<2048x128xf32>
    %get3A_2 = arith.constant 0 : index
    %get3A_3 = arith.constant 0 : index
    %get3A_4 = vector.load %arg3[%get3A_2, %get3A_3] : memref<2048x128xf32, #tpu.memory_space<vmem>>, vector<2048x128xf32>
    %mul3A = arith.mulf %get3A_1, %get3A_4 : vector<2048x128xf32>
    %broadcast_in_dim3A = arith.constant 1.000000e+00 : f32
    %broadcast_in_dim3A_5 = vector.broadcast %broadcast_in_dim3A : f32 to vector<1x128xf32>
    %dot_general3A = arith.constant dense<0.000000e+00> : vector<1x2048xf32>
    %dot_general3A_6 = tpu.matmul %broadcast_in_dim3A_5, %mul3A, %dot_general3A {dimension_numbers = #tpu.dot_dimension_numbers<[1], [1], [0], [0], [0, 0, 1, 0], [], []>, transpose_lhs_hint = false} : vector<1x128xf32>, vector<2048x128xf32>, vector<1x2048xf32> -> vector<1x2048xf32>
    %reshape3A = vector.shape_cast %dot_general3A_6 : vector<1x2048xf32> to vector<16x128xf32>
    %swap3A = arith.constant 0 : index
    %swap3A_7 = arith.constant 0 : index
    %swap3A_8 = vector.load %arg4[%swap3A, %swap3A_7] : memref<16x128xf32, #tpu.memory_space<vmem>>, vector<16x128xf32>
    tpu.vector_store %arg4[%swap3A, %swap3A_7], %reshape3A {strides = array<i32>} : memref<16x128xf32, #tpu.memory_space<vmem>>, vector<16x128xf32>,
    %eq3A = arith.constant 0 : i32
    %eq3A_9 = arith.cmpi eq, %arg0, %eq3A : i32
    %eq3A_10 = arith.constant 0 : i32
    %eq3A_11 = arith.cmpi eq, %arg1, %eq3A_10 : i32
    %and3A = arith.andi %eq3A_9, %eq3A_11 : i1
    %convert_element_type3A = arith.extui %and3A : i1 to i32
    %cond3A = arith.constant 0 : i32
    %cond3A_12 = arith.cmpi ne, %convert_element_type3A, %cond3A : i32
    scf.if %cond3A_12 {
      %broadcast_in_dim3A_18 = arith.constant 0.000000e+00 : f32
      %broadcast_in_dim3A_19 = vector.broadcast %broadcast_in_dim3A_18 : f32 to vector<1x1xf32>
      %swap3A_20 = arith.constant 0 : index
      %swap3A_21 = arith.constant 0 : index
      %swap3A_22 = vector.load %arg5[%swap3A_20, %swap3A_21] : memref<1x1xf32, #tpu.memory_space<vmem>>, vector<1x1xf32>
      tpu.vector_store %arg5[%swap3A_20, %swap3A_21], %broadcast_in_dim3A_19 {strides = array<i32>} : memref<1x1xf32, #tpu.memory_space<vmem>>, vector<1x1xf32>,
    } else {
    }
    %eq3A_13 = arith.constant 0 : i32
    %eq3A_14 = arith.cmpi eq, %arg1, %eq3A_13 : i32
    %convert_element_type3A_15 = arith.extui %eq3A_14 : i1 to i32
    %cond3A_16 = arith.constant 0 : i32
    %cond3A_17 = arith.cmpi ne, %convert_element_type3A_15, %cond3A_16 : i32
    scf.if %cond3A_17 {
      %get3A_18 = arith.constant 0 : index
      %get3A_19 = arith.constant 0 : index
      %get3A_20 = vector.load %arg5[%get3A_18, %get3A_19] : memref<1x1xf32, #tpu.memory_space<vmem>>, vector<1x1xf32>
      %mul3A_21 = arith.mulf %get3A_1, %get3A_1 : vector<2048x128xf32>
      %reduce_sum3A = vector.shape_cast %mul3A_21 : vector<2048x128xf32> to vector<1x2048x128xf32>
      %reduce_sum3A_22 = arith.constant dense<0.000000e+00> : vector<1xf32>
      %reduce_sum3A_23 = vector.multi_reduction <add>, %reduce_sum3A, %reduce_sum3A_22 [1, 2] : vector<1x2048x128xf32> to vector<1xf32>
      %reduce_sum3A_24 = vector.shape_cast %reduce_sum3A_23 : vector<1xf32> to vector<1x1x1xf32>
      %reduce_sum3A_25 = vector.extract %reduce_sum3A_24[0, 0, 0] : f32 from vector<1x1x1xf32>
      %mul3A_26 = arith.mulf %get3A_4, %get3A_4 : vector<2048x128xf32>
      %reduce_sum3A_27 = vector.shape_cast %mul3A_26 : vector<2048x128xf32> to vector<1x2048x128xf32>
      %reduce_sum3A_28 = arith.constant dense<0.000000e+00> : vector<1xf32>
      %reduce_sum3A_29 = vector.multi_reduction <add>, %reduce_sum3A_27, %reduce_sum3A_28 [1, 2] : vector<1x2048x128xf32> to vector<1xf32>
      %reduce_sum3A_30 = vector.shape_cast %reduce_sum3A_29 : vector<1xf32> to vector<1x1x1xf32>
      %reduce_sum3A_31 = vector.extract %reduce_sum3A_30[0, 0, 0] : f32 from vector<1x1x1xf32>
      %add3A = arith.addf %reduce_sum3A_25, %reduce_sum3A_31 : f32
      %reshape3A_32 = vector.broadcast %add3A : f32 to vector<1x1xf32>
      %add3A_33 = arith.addf %get3A_20, %reshape3A_32 : vector<1x1xf32>
      %swap3A_34 = arith.constant 0 : index
      %swap3A_35 = arith.constant 0 : index
      %swap3A_36 = vector.load %arg5[%swap3A_34, %swap3A_35] : memref<1x1xf32, #tpu.memory_space<vmem>>, vector<1x1xf32>
      tpu.vector_store %arg5[%swap3A_34, %swap3A_35], %add3A_33 {strides = array<i32>} : memref<1x1xf32, #tpu.memory_space<vmem>>, vector<1x1xf32>,
    } else {
    }
    return
  }
  func.func @transform_0(%arg0: i32, %arg1: i32) -> (i32, i32) {
    %c0_i32 = arith.constant 0 : i32
    %c0_i32_0 = arith.constant 0 : i32
    return %arg0, %c0_i32 : i32, i32
  }
  func.func @transform_1(%arg0: i32, %arg1: i32) -> (i32, i32) {
    %mul3A = arith.constant 8 : i32
    %mul3A_0 = arith.muli %arg1, %mul3A : i32
    %add3A = arith.addi %mul3A_0, %arg0 : i32
    %c0_i32 = arith.constant 0 : i32
    %c0_i32_1 = arith.constant 0 : i32
    return %add3A, %c0_i32 : i32, i32
  }
  func.func @transform_2(%arg0: i32, %arg1: i32) -> (i32, i32) {
    %mul3A = arith.constant 8 : i32
    %mul3A_0 = arith.muli %arg1, %mul3A : i32
    %add3A = arith.addi %mul3A_0, %arg0 : i32
    %c0_i32 = arith.constant 0 : i32
    %c0_i32_1 = arith.constant 0 : i32
    return %add3A, %c0_i32 : i32, i32
  }
  func.func @transform_3(%arg0: i32, %arg1: i32) -> (i32, i32) {
    %c0_i32 = arith.constant 0 : i32
    %c0_i32_0 = arith.constant 0 : i32
    %c0_i32_1 = arith.constant 0 : i32
    return %c0_i32, %c0_i32_0 : i32, i32
  }
}

</mosaic_0001>

<sc_bundles>
// kernel: kernel.5.cloned.1.call-start
scs
__scs_entry_jumppad:
0x0: {  	(pc) =	sbr.rel $0x88, $3  }
0x1: {  	(tag) =	ssettag $0x0;
	lr =	simm.s32 $0x1  }
0x2: {  	[smem:$0x3F9C] =	sst lr;
	_ =	strace $0xD0000000  }
0x3: {  	_ = 	snop  }
0x4: {  	_ = 	snop  }
0x5: {  	_ = 	snop  }
0x6: {  	_ = 	snop  }
0x7: {  	_ = 	snop  }
__scs_overlays_trampoline_lowered:
0x8: {  	[smem:$0x3FAB] =	sst s0  }
0x9: {  	[smem:$0x3FAC] =	sst s1  }
0xa: {  	[smem:$0x3FAD] =	sst s2  }
0xb: {  	[smem:$0x3FAE] =	sst s3  }
0xc: {  	[smem:$0x3FAF] =	sst s4  }
0xd: {  	[smem:$0x3FB0] =	sst s5  }
0xe: {  	[smem:$0x3FB1] =	sst s6  }
0xf: {  	[smem:$0x3FB2] =	sst s7  }
0x10: {  	[smem:$0x3FB3] =	sst s8  }
0x11: {  	[smem:$0x3FB4] =	sst s9;
	s0 =	simm.s32 @!p0 $0x0  }
0x12: {  	s1 =	sld [smem:$0x3F9A];
	s0 =	simm.s32 @p0 $0x1  }
0x13: {  	[smem:$0x3FB5] =	sst s0;
	s0 =	simm.s32 @!p1 $0x0  }
0x14: {  	s2 =	sld [smem:$0x3F99];
	s0 =	simm.s32 @p1 $0x1  }
0x15: {  	[smem:$0x3FB6] =	sst s0;
	s0 =	simm.s32 @!p2 $0x0  }
0x16: {  	s3 =	sld [smem:$0x3FDB];
	s0 =	simm.s32 @p2 $0x1  }
0x17: {  	s4 =	simm.s32 $0x1BF5;
	[smem:$0x3FB8] =	sst s0  }
0x18: {  	s0 =	sld [smem:$0x3F9B];
	_ =	swait.ge [sflag:s4], $0x0  }
0x19: {  	s7 =	sld [smem:$0x3F9C]  }
0x1a: {  	s8 =	sadd.s32 $0xFFFFE003, lr  }
0x1b: {  	s9 =	sadd.s32 $0xFFFFFEF7, lr;
	s5 =	simm.s32 $0xFFFFFFFF;
	p2 =	slt.u32 s8, $0xFFFFF086  }
0x1c: {  	p1 =	slt.u32 s9, $0xF7A;
	s5 =	simm.s32 @!p2 $0x0  }
0x1d: {  	s5 =	simm.s32 @p1 $0x1;
	p0 =	seq.s32 s7, s2  }
0x1e: {  	s7 =	smul.u32 @!p0 $0xF7A, s2;
	p2 =	seq.s32 @!p0 s5, $0x0  }
0x1f: {  	s9 =	smul.u32 $0xF7A, s1;
	s8 =	simm.s32 @!p0 $0x1BF5;
	p2 =	por !p2, p0  }
0x20: {  	[sflag:s8] =	ssyncset.s32 @!p0 $0xFFFFF086;
	s6 =	sadd.s32 @!p0 s3, s7;
	s7 =	simm.s32 @!p0 $0x108  }
0x21: {  	s3 =	sadd.s32 s3, s9;
	s6 =	sadd.s32 @!p0 $0x88, s6;
	s7 =	simm.s32 @p2 $0x1082  }
0x22: {  	[simem:s7], [sflag:s8] =	dma.local @!p0 [hbm:s6], $0xF7A  }
0x23: {  	s9 =	sor.u32 $0xD0000000, s2;
	s6 =	simm.s32 $0x108;
	_ =	swait.ge @!p0 [sflag:s8], $0x0  }
0x24: {  	s3 =	sadd.s32 $0x88, s3;
	s6 =	simm.s32 @!p1 $0x1082;
	[sflag:s4] =	ssyncset.s32 $0xFFFFF086  }
0x25: {  	[simem:s6], [sflag:s4] =	dma.local [hbm:s3], $0xF7A  }
0x26: {  	[smem:$0x3F9C] =	sst s1;
	(tag) =	ssettag s2;
	_ =	strace s9  }
0x27: {  	s1 =	sld [smem:$0x3FAC]  }
0x28: {  	s2 =	sld [smem:$0x3FAD]  }
0x29: {  	s4 =	sld [smem:$0x3FAF]  }
0x2a: {  	p0 =	seq.s32 s5, $0x0;
	s5 =	sld [smem:$0x3FB0]  }
0x2b: {  	s6 =	sld [smem:$0x3FB1]  }
0x2c: {  	s7 =	sld [smem:$0x3FB2]  }
0x2d: {  	s3 =	simm.s32 $0x108;
	s8 =	sld [smem:$0x3FB3]  }
0x2e: {  	s3 =	simm.s32 @!p0 $0x1082;
	s9 =	sld [smem:$0x3FB4]  }
0x2f: {  	lr =	sadd.s32 s0, s3;
	s0 =	sld [smem:$0x3FAB]  }
0x30: {  	s3 =	sld [smem:$0x3FAE]  }
0x31: {  	[smem:$0x3FB7] =	sst s10  }
0x32: {  	s10 =	sld [smem:$0x3FB5];
	_ =	sdelay $0x3  }
0x33: {  	p0 =	seq.s32 s10, $0x1;
	s10 =	sld [smem:$0x3FB7];
	_ =	sdelay $0x3  }
0x34: {  	[smem:$0x3FB7] =	sst s10  }
0x35: {  	s10 =	sld [smem:$0x3FB6];
	_ =	sdelay $0x3  }
0x36: {  	p1 =	seq.s32 s10, $0x1;
	s10 =	sld [smem:$0x3FB7];
	_ =	sdelay $0x3  }
0x37: {  	[smem:$0x3FB7] =	sst s10  }
0x38: {  	s10 =	sld [smem:$0x3FB8]  }
0x39: {  	_ = 	snop;
	(pc) =	sbr.ind lr, $3  }
0x3a: {  	_ = 	snop  }
0x3b: {  	_ = 	snop  }
0x3c: {  	p2 =	seq.s32 s10, $0x1;
	s10 =	sld [smem:$0x3FB7]  }
0x3d: {  	_ =	shalt  }
0x3e: {  	_ =	shalt  }
0x3f: {  	_ =	shalt  }
0x40: {  	_ =	shalt  }
0x41: {  	_ =	shalt  }
0x42: {  	_ =	shalt  }
0x43: {  	_ =	shalt  }
0x44: {  	_ =	shalt  }
0x45: {  	_ =	shalt  }
0x46: {  	_ =	shalt  }
0x47: {  	_ =	shalt  }
0x48: {  	_ =	shalt  }
0x49: {  	_ =	shalt  }
0x4a: {  	_ =	shalt  }
0x4b: {  	_ =	shalt  }
0x4c: {  	_ =	shalt  }
0x4d: {  	_ =	shalt  }
0x4e: {  	_ =	shalt  }
0x4f: {  	_ =	shalt  }
0x50: {  	_ =	shalt  }
0x51: {  	_ =	shalt  }
0x52: {  	_ =	shalt  }
0x53: {  	_ =	shalt  }
0x54: {  	_ =	shalt  }
0x55: {  	_ =	shalt  }
0x56: {  	_ =	shalt  }
0x57: {  	_ =	shalt  }
0x58: {  	_ =	shalt  }
0x59: {  	_ =	shalt  }
0x5a: {  	_ =	shalt  }
0x5b: {  	_ =	shalt  }
0x5c: {  	_ =	shalt  }
0x5d: {  	_ =	shalt  }
0x5e: {  	_ =	shalt  }
0x5f: {  	_ =	shalt  }
0x60: {  	_ =	shalt  }
0x61: {  	_ =	shalt  }
0x62: {  	_ =	shalt  }
0x63: {  	_ =	shalt  }
0x64: {  	_ =	shalt  }
0x65: {  	_ =	shalt  }
0x66: {  	_ =	shalt  }
0x67: {  	_ =	shalt  }
0x68: {  	_ =	shalt  }
0x69: {  	_ =	shalt  }
0x6a: {  	_ =	shalt  }
0x6b: {  	_ =	shalt  }
0x6c: {  	_ =	shalt  }
0x6d: {  	_ =	shalt  }
0x6e: {  	_ =	shalt  }
0x6f: {  	_ =	shalt  }
0x70: {  	_ =	shalt  }
0x71: {  	_ =	shalt  }
0x72: {  	_ =	shalt  }
0x73: {  	_ =	shalt  }
0x74: {  	_ =	shalt  }
0x75: {  	_ =	shalt  }
0x76: {  	_ =	shalt  }
0x77: {  	_ =	shalt  }
0x78: {  	_ =	shalt  }
0x79: {  	_ =	shalt  }
0x7a: {  	_ =	shalt  }
0x7b: {  	_ =	shalt  }
0x7c: {  	_ =	shalt  }
0x7d: {  	_ =	shalt  }
0x7e: {  	_ =	shalt  }
0x7f: {  	_ =	shalt  }
0x80: {  	_ =	shalt  }
0x81: {  	_ =	shalt  }
0x82: {  	_ =	shalt  }
0x83: {  	_ =	shalt  }
0x84: {  	_ =	shalt  }
0x85: {  	_ =	shalt  }
0x86: {  	_ =	shalt  }
0x87: {  	_ =	shalt  }
.Lfunc_end0:
.L_simem_size_0:
called_computation_lowered:
.L_overlay_start_0:
0x88: {  	s2 =	sld [smem:$0x3FD9]  }
0x89: {  	s3 =	sld [smem:$0x3FFE];
	_ =	sdelay $0x1  }
0x8a: {  	s1 =	srdreg.scid  }
0x8b: {  	s0 =	sand.u32 $0x1, s1  }
0x8c: {  	s15 =	sshll.u32 s0, $0xA;
	s2 =	sadd.s32 s3, s2  }
0x8d: {  	s2 =	sadd.s32 s2, s15  }
0x8e: {  	[smem:$0x3FC3] =	sst s2  }
0x8f: {  	_ = 	snop  }
0x90: {  	s2 =	sld [smem:$0x3FD0];
	_ =	sdelay $0x2  }
0x91: {  	s16 =	simm.s32 $0xB;
	s4 =	simm.s32 $0x10  }
0x92: {  	[smem:s4], [sflag:s16] =	dma.local [hbm:s2], $0x1  }
0x93: {  	_ =	swait.eq [sflag:s16], $0x1  }
0x94: {  	[sflag:s16] =	ssyncset.done $0x0  }
0x95: {  	[sflag:s16] =	ssyncadd.s32 $0xFFFFFFFF  }
0x96: {  	s17 =	sld [smem:$0x11];
	(tm) =	ssettm $0x1  }
0x97: {  	s18 =	sld [smem:$0x3FFB];
	_ =	sdelay $0x3  }
0x98: {  	_ =	strace s18  }
0x99: {  	s2 =	sld [smem:$0x3FFC];
	_ =	sdelay $0x3  }
0x9a: {  	_ =	strace s2  }
0x9b: {  	s2 =	sld [smem:$0x3FFD];
	_ =	sdelay $0x3  }
0x9c: {  	_ =	strace s2  }
0x9d: {  	_ =	strace $0x8FFFFFFF  }
0x9e: {  	s19 =	sld [smem:$0x3FDB];
	_ =	sdelay $0x1  }
0x9f: {  	s20 =	simm.s32 $_scs_section_size  }
0xa0: {  	s5 =	simm.s32 $_size__tile_overlayer_lowered;
	s6 =	simm.s32 $_tile_overlayer_lowered  }
0xa1: {  	s7 =	simm.s32 $0x1BFF;
	s21 =	sshll.u32 s6, $0x1;
	s4 =	sadd.s32 s20, s19  }
0xa2: {  	s22 =	simm.s32 $0x0;
	s5 =	sshll.u32 s5, $0x1;
	s6 =	sadd.s32 s21, s4  }
0xa3: {  	[timem:s22], [sflag:s7] =	dma.local [hbm:s6], s5  }
0xa4: {  	_ =	swait.ge [sflag:s7], s5  }
0xa5: {  	s5 =	ssub.s32 $0x0, s5;
	[sflag:s7] =	ssyncset.done $0x0  }
0xa6: {  	[sflag:s7] =	ssyncadd.s32 s5;
	_ =	sdelay $0x1  }
0xa7: {  	s23 =	simm.s32 $0x1B8B  }
0xa8: {  	_ =	swait.ge [sflag:s23], $0x1  }
0xa9: {  	[sflag:s23] =	ssyncset.done $0x0  }
0xaa: {  	[sflag:s23] =	ssyncadd.s32 $0xFFFFFFFF  }
0xab: {  	s5 =	sld [smem:$0x0]  }
0xac: {  	s6 =	sand.u32 $0xFFFFFFFE, s1  }
0xad: {  	p0 =	sne.s32 s1, s6  }
0xae: {  	s6 =	sshll.u32 @p0 s6, $0xE  }
0xaf: {  	s6 =	sadd.s32 @p0 $0x11B8D, s6;
	s7 =	sshll.u32 @p0 s5, $0x11  }
0xb0: {  	s6 =	sor.u32 @p0 s7, s6  }
0xb1: {  	[sflag:s6] =	ssyncadd.remote.s32 @p0 $0x1;
	_ =	sdelay $0x1  }
0xb2: {  	s6 =	simm.s32 @p0 $0x1B8D  }
0xb3: {  	_ =	swait.eq @p0 [sflag:s6], $0x1  }
0xb4: {  	[sflag:s6] =	ssyncadd.s32 @p0 $0xFFFFFFFF  }
0xb5: {  	s7 =	sshll.u32 @!p0 s1, $0xE  }
0xb6: {  	s7 =	sor.u32 @!p0 $0x4000, s7;
	s6 =	simm.s32 @!p0 $0x1B8D  }
0xb7: {  	s5 =	sshll.u32 @!p0 s5, $0x11;
	s7 =	sadd.s32 @!p0 $0x11B8D, s7;
	_ =	swait.eq @!p0 [sflag:s6], $0x1  }
0xb8: {  	s5 =	sor.u32 @!p0 s5, s7;
	[sflag:s6] =	ssyncadd.s32 @!p0 $0xFFFFFFFF  }
0xb9: {  	s25 =	simm.s32 $0x1B8E;
	s24 =	sld [smem:$0x3FFE];
	[sflag:s5] =	ssyncadd.remote.s32 @!p0 $0x1  }
0xba: {  	s26 =	simm.s32 $execute0_lowered;
	[smem:$0x3FD2] =	sst s25  }
0xbb: {  	s6 =	sshll.u32 s26, $0x1;
	_ =	strace $0x80000049;
	[dreg:$0x1] =	wrdreg $0xFFFFFFFF  }
0xbc: {  	s28 =	simm.s32 $_size_execute0_lowered;
	s4 =	sadd.s32 s4, s6;
	[dreg:$0x0] =	wrdreg $0x0  }
0xbd: {  	s6 =	sshll.u32 s28, $0x1;
	[dreg:$0x2] =	wrdreg s4  }
0xbe: {  	[dreg:$0x3] =	wrdreg s6  }
0xbf: {  	[dreg:$0x4] =	wrdreg $0xC0  }
0xc0: {  	_ =	task [dreg:s22], $0x5FFFF  }
0xc1: {  	[dreg:$0x1] =	wrdreg $0xFFFFFFFF  }
0xc2: {  	[dreg:$0x0] =	wrdreg $0x60  }
0xc3: {  	[dreg:$0x2] =	wrdreg s24  }
0xc4: {  	[dreg:$0x3] =	wrdreg s17  }
0xc5: {  	[dreg:$0x4] =	wrdreg $0x9  }
0xc6: {  	_ =	task.clear_ibuf [dreg:s22], $0x5FFFF;
	_ =	strace $0x90000049  }
0xc7: {  	s29 =	simm.s32 $0x9;
	_ =	strace $0x8000004B  }
0xc8: {  	_ =	swait.ge [sflag:s29], $0x1  }
0xc9: {  	[sflag:s29] =	ssyncadd.s32 $0xFFFFFFFF  }
0xca: {  	_ =	strace $0x9000004B  }
0xcb: {  	_ =	sfence  }
0xcc: {  	s30 =	sld [smem:$0x0];
	_ =	sdelay $0x2  }
0xcd: {  	s31 =	sshll.u32 s1, $0xD;
	s1 =	sshrl.u32 s1, $0x2  }
0xce: {  	s4 =	sand.u32 $0x4000, s31;
	s1 =	sadd.s32 s1, s30  }
0xcf: {  	s0 =	sor.u32 s4, s0;
	s1 =	sshll.u32 s1, $0x11  }
0xd0: {  	s0 =	sor.u32 s1, s0  }
0xd1: {  	s0 =	sadd.s32 $0x8F2B, s0  }
0xd2: {  	[sflag:s0] =	ssyncadd.remote.s32 $0x1  }
0xd3: {  	_ =	sfence.sel $0xFFFF  }
0xd4: {  	[dreg:$0x0] =	wrdreg $0xFFFFFFFF;
	(pc) =	sbr.abs _section_cstart, $3  }
0xd5: {  	[dreg:$0x1] =	wrdreg $0xFFFFFFFF  }
0xd6: {  	_ =	task.clear_ibuf [dreg:s22], $0x2FFFF;
	_ =	strace $0x9FFFFFFF  }
0xd7: {  	(tm) =	ssettm $0x7FFFFFFF  }
tec
execute0_lowered:
.L_overlay_start_1:
0x0: {  	(tag) =	ssettag $0x1  }
0x1: {  	s4 =	rddreg [dreg:$0x0]  }
0x2: {  	s5 =	rddreg [dreg:$0x1]  }
0x3: {  	s0 =	rddreg [dreg:$0x2];
	s2 =	simm.s32 $0x0;
	s6 =	srdreg.scid  }
0x4: {  	s1 =	stileid.u32;
	s13 =	simm.s32 $0x6A00;
	s14 =	simm.s32 $0xAA00  }
0x5: {  	s15 =	simm.s32 $0xEA00;
	s16 =	simm.s32 $0x12A00;
	s17 =	simm.s32 $0x16A00  }
0x6: {  	s18 =	simm.s32 $0x1AA00;
	s19 =	simm.s32 $0x1;
	s20 =	simm.s32 $0x2  }
0x7: {  	s21 =	simm.s32 $0x0;
	[smem:$0x7FF] =	sst s2;
	s7 =	smul.u32 $0x5400, s1  }
0x8: {  	s3 =	sadd.s32 $0x1C7A00, s4;
	s6 =	sand.u32 $0x1, s6;
	s12 =	smul.u32 $0x54000, s1  }
0x9: {  	s4 =	sadd.s32 $0x34E400, s4;
	s11 =	sshll.u32 s1, $0x1;
	s9 =	smul.u32 $0x2A00, s6  }
0xa: {  	s8 =	ssub.s32 $0x2, s6;
	s11 =	sor.u32 s6, s11;
	s6 =	smul.u32 $0x2A000, s6  }
0xb: {  	_ =	strace $0x8000004A;
	s10 =	sshrl.u32 s8, $0x1;
	s25 =	smul.u32 $0x2A00, s11  }
0xc: {  	s26 =	sadd.s32 s12, s4;
	s11 =	simm.s32 $0x80;
	s12 =	simm.s32 $0x2A00  }
0xd: {  	s7 =	sadd.s32 s9, s7;
	s8 =	ssub.s32 s8, s10;
	s6 =	sadd.s32 s6, s26  }
0xe: {  	s10 =	simm.s32 $0x3;
	s7 =	sshll.u32 s7, $0x4;
	s29 =	sshrl.u32 s25, $0x3  }
0xf: {  	[dreg:$0x3] =	wrdreg s6;
	s28 =	sadd.s32 s7, s4;
	s4 =	sadd.s32 s5, s29  }
0x10: {  	s5 =	smax.u32 s8, $0x1;
	s30 =	sadd.s32 $0x3000, s28;
	s31 =	sadd.s32 $0x2800, s28  }
0x11: {  	s6 =	sadd.s32 $0x2000, s28;
	s7 =	sadd.s32 $0x1800, s28;
	[dreg:$0x4] =	wrdreg s30  }
0x12: {  	s8 =	sadd.s32 $0x1000, s28;
	s9 =	sadd.s32 $0x800, s28;
	[dreg:$0x5] =	wrdreg s31  }
.LBB2_1:
0x13: {  	[tilespmem:s2], [sflag:$0x3] =	stream.linear.gather [hbm4b:s4+s2], $0x2A00, $0x38;
	[tilespmem:$0x1EA00] =	vst v63  }
0x14: {  	_ =	swait.ge [sflag:s10], $0x2A00  }
0x15: {  	[sflag:s10] =	ssyncset.done $0x0  }
0x16: {  	s22 =	simm.s32 $0x0;
	[sflag:s10] =	ssyncadd.s32 $0xFFFFD600  }
0x17: {  	[tilespmem:s12], [sflag:$0x1] =	stream.indirect.gather [hbm4b:s3+s11], $0x80, s22, s11, $0xb8;
	[tilespmem:$0x1EA00] =	vst v63  }
0x18: {  	s26 =	simm.s32 $0x80  }
0x19: {  	[tilespmem:s13], [sflag:$0x1] =	stream.indirect.gather [hbm4b:s3+s11], $0x80, s26, s11, $0xb8;
	[tilespmem:$0x1EA00] =	vst v63  }
0x1a: {  	s28 =	simm.s32 $0x100  }
0x1b: {  	[tilespmem:s14], [sflag:$0x1] =	stream.indirect.gather [hbm4b:s3+s11], $0x80, s28, s11, $0xb8;
	[tilespmem:$0x1EA00] =	vst v63  }
0x1c: {  	s29 =	simm.s32 $0x180  }
0x1d: {  	[tilespmem:s15], [sflag:$0x1] =	stream.indirect.gather [hbm4b:s3+s11], $0x80, s29, s11, $0xb8;
	[tilespmem:$0x1EA00] =	vst v63  }
0x1e: {  	s30 =	simm.s32 $0x200  }
0x1f: {  	[tilespmem:s16], [sflag:$0x1] =	stream.indirect.gather [hbm4b:s3+s11], $0x80, s30, s11, $0xb8;
	[tilespmem:$0x1EA00] =	vst v63  }
0x20: {  	s31 =	simm.s32 $0x280  }
0x21: {  	[tilespmem:s17], [sflag:$0x1] =	stream.indirect.gather [hbm4b:s3+s11], $0x80, s31, s11, $0xb8;
	[tilespmem:$0x1EA00] =	vst v63  }
0x22: {  	s23 =	simm.s32 $0x300  }
0x23: {  	[tilespmem:s18], [sflag:$0x1] =	stream.indirect.gather [hbm4b:s3+s11], $0x80, s23, s11, $0xb8;
	[tilespmem:$0x1EA00] =	vst v63  }
0x24: {  	_ =	swait.ge [sflag:s19], $0x4000  }
0x25: {  	[sflag:s19] =	ssyncset.done $0x0  }
0x26: {  	[sflag:s19] =	ssyncadd.s32 $0xFFFFC000  }
0x27: {  	_ =	swait.ge [sflag:s19], $0x4000  }
0x28: {  	[sflag:s19] =	ssyncset.done $0x0  }
0x29: {  	[sflag:s19] =	ssyncadd.s32 $0xFFFFC000  }
0x2a: {  	_ =	swait.ge [sflag:s19], $0x4000  }
0x2b: {  	[sflag:s19] =	ssyncset.done $0x0  }
0x2c: {  	[sflag:s19] =	ssyncadd.s32 $0xFFFFC000  }
0x2d: {  	_ =	swait.ge [sflag:s19], $0x4000  }
0x2e: {  	[sflag:s19] =	ssyncset.done $0x0  }
0x2f: {  	[sflag:s19] =	ssyncadd.s32 $0xFFFFC000  }
0x30: {  	_ =	swait.ge [sflag:s19], $0x4000  }
0x31: {  	[sflag:s19] =	ssyncset.done $0x0  }
0x32: {  	[sflag:s19] =	ssyncadd.s32 $0xFFFFC000  }
0x33: {  	_ =	swait.ge [sflag:s19], $0x4000  }
0x34: {  	[sflag:s19] =	ssyncset.done $0x0  }
0x35: {  	[sflag:s19] =	ssyncadd.s32 $0xFFFFC000  }
0x36: {  	_ =	swait.ge [sflag:s19], $0x4000  }
0x37: {  	s24 =	rddreg [dreg:$0x3];
	[sflag:s19] =	ssyncset.done $0x0  }
0x38: {  	[sflag:s19] =	ssyncadd.s32 $0xFFFFC000;
	s22 =	sadd.s32 $0x0, s24  }
0x39: {  	[hbm4b:s22+s2] =	stream.linear.scatter [tilespmem:s12], [sflag:$0x2], $0x4000, $0x38;
	[tilespmem:$0x1EA00] =	vst v63  }
0x3a: {  	s25 =	sadd.s32 $0x0, s9  }
0x3b: {  	[hbm4b:s25+s2] =	stream.linear.scatter [tilespmem:s13], [sflag:$0x2], $0x4000, $0x38;
	[tilespmem:$0x1EA00] =	vst v63  }
0x3c: {  	s26 =	sadd.s32 $0x0, s8  }
0x3d: {  	[hbm4b:s26+s2] =	stream.linear.scatter [tilespmem:s14], [sflag:$0x2], $0x4000, $0x38;
	[tilespmem:$0x1EA00] =	vst v63  }
0x3e: {  	s28 =	sadd.s32 $0x0, s7  }
0x3f: {  	[hbm4b:s28+s2] =	stream.linear.scatter [tilespmem:s15], [sflag:$0x2], $0x4000, $0x38;
	[tilespmem:$0x1EA00] =	vst v63  }
0x40: {  	s29 =	sadd.s32 $0x0, s6;
	s23 =	rddreg [dreg:$0x5]  }
0x41: {  	[hbm4b:s29+s2] =	stream.linear.scatter [tilespmem:s16], [sflag:$0x2], $0x4000, $0x38;
	[tilespmem:$0x1EA00] =	vst v63  }
0x42: {  	s24 =	rddreg [dreg:$0x4];
	s30 =	sadd.s32 $0x0, s23  }
0x43: {  	[hbm4b:s30+s2] =	stream.linear.scatter [tilespmem:s17], [sflag:$0x2], $0x4000, $0x38;
	[tilespmem:$0x1EA00] =	vst v63  }
0x44: {  	s31 =	sadd.s32 $0x0, s24  }
0x45: {  	[hbm4b:s31+s2] =	stream.linear.scatter [tilespmem:s18], [sflag:$0x2], $0x4000, $0x38;
	[tilespmem:$0x1EA00] =	vst v63  }
0x46: {  	_ =	swait.ge [sflag:s20], $0x4000  }
0x47: {  	[sflag:s20] =	ssyncset.done $0x0  }
0x48: {  	[sflag:s20] =	ssyncadd.s32 $0xFFFFC000  }
0x49: {  	_ =	swait.ge [sflag:s20], $0x4000  }
0x4a: {  	[sflag:s20] =	ssyncset.done $0x0  }
0x4b: {  	[sflag:s20] =	ssyncadd.s32 $0xFFFFC000  }
0x4c: {  	_ =	swait.ge [sflag:s20], $0x4000  }
0x4d: {  	[sflag:s20] =	ssyncset.done $0x0  }
0x4e: {  	[sflag:s20] =	ssyncadd.s32 $0xFFFFC000  }
0x4f: {  	_ =	swait.ge [sflag:s20], $0x4000  }
0x50: {  	[sflag:s20] =	ssyncset.done $0x0  }
0x51: {  	[sflag:s20] =	ssyncadd.s32 $0xFFFFC000  }
0x52: {  	_ =	swait.ge [sflag:s20], $0x4000  }
0x53: {  	[sflag:s20] =	ssyncset.done $0x0  }
0x54: {  	[sflag:s20] =	ssyncadd.s32 $0xFFFFC000  }
0x55: {  	_ =	swait.ge [sflag:s20], $0x4000  }
0x56: {  	[sflag:s20] =	ssyncset.done $0x0  }
0x57: {  	[sflag:s20] =	ssyncadd.s32 $0xFFFFC000  }
0x58: {  	s23 =	simm.s32 $0x680;
	_ =	swait.ge [sflag:s20], $0x4000  }
0x59: {  	s22 =	simm.s32 $0x3800;
	s24 =	simm.s32 $0x7000;
	[sflag:s20] =	ssyncset.done $0x0  }
.LBB2_2:
0x5a: {  	s25 =	sadd.s32 $0xFFFFFD00, s23;
	[sflag:s20] =	ssyncadd.s32 $0xFFFFC000  }
0x5b: {  	[tilespmem:s12], [sflag:$0x1] =	stream.indirect.gather [hbm4b:s3+s11], $0x80, s25, s11, $0xb8;
	[tilespmem:$0x1EA00] =	vst v63  }
0x5c: {  	s26 =	sadd.s32 $0xFFFFFD80, s23  }
0x5d: {  	[tilespmem:s13], [sflag:$0x1] =	stream.indirect.gather [hbm4b:s3+s11], $0x80, s26, s11, $0xb8;
	[tilespmem:$0x1EA00] =	vst v63  }
0x5e: {  	s31 =	sadd.s32 $0xFFFFFE00, s23  }
0x5f: {  	[tilespmem:s14], [sflag:$0x1] =	stream.indirect.gather [hbm4b:s3+s11], $0x80, s31, s11, $0xb8;
	[tilespmem:$0x1EA00] =	vst v63  }
0x60: {  	s28 =	sadd.s32 $0xFFFFFE80, s23  }
0x61: {  	[tilespmem:s15], [sflag:$0x1] =	stream.indirect.gather [hbm4b:s3+s11], $0x80, s28, s11, $0xb8;
	[tilespmem:$0x1EA00] =	vst v63  }
0x62: {  	s29 =	sadd.s32 $0xFFFFFF00, s23  }
0x63: {  	[tilespmem:s16], [sflag:$0x1] =	stream.indirect.gather [hbm4b:s3+s11], $0x80, s29, s11, $0xb8;
	[tilespmem:$0x1EA00] =	vst v63  }
0x64: {  	s30 =	sadd.s32 $0xFFFFFF80, s23  }
0x65: {  	[tilespmem:s17], [sflag:$0x1] =	stream.indirect.gather [hbm4b:s3+s11], $0x80, s30, s11, $0xb8;
	[tilespmem:$0x1EA00] =	vst v63  }
0x66: {  	_ = 	snop  }
0x67: {  	[tilespmem:s18], [sflag:$0x1] =	stream.indirect.gather [hbm4b:s3+s11], $0x80, s23, s11, $0xb8;
	[tilespmem:$0x1EA00] =	vst v63  }
0x68: {  	_ =	swait.ge [sflag:s19], $0x4000  }
0x69: {  	[sflag:s19] =	ssyncset.done $0x0  }
0x6a: {  	[sflag:s19] =	ssyncadd.s32 $0xFFFFC000  }
0x6b: {  	_ =	swait.ge [sflag:s19], $0x4000  }
0x6c: {  	[sflag:s19] =	ssyncset.done $0x0  }
0x6d: {  	[sflag:s19] =	ssyncadd.s32 $0xFFFFC000  }
0x6e: {  	_ =	swait.ge [sflag:s19], $0x4000  }
0x6f: {  	[sflag:s19] =	ssyncset.done $0x0  }
0x70: {  	[sflag:s19] =	ssyncadd.s32 $0xFFFFC000  }
0x71: {  	_ =	swait.ge [sflag:s19], $0x4000  }
0x72: {  	[sflag:s19] =	ssyncset.done $0x0  }
0x73: {  	[sflag:s19] =	ssyncadd.s32 $0xFFFFC000  }
0x74: {  	_ =	swait.ge [sflag:s19], $0x4000  }
0x75: {  	[sflag:s19] =	ssyncset.done $0x0  }
0x76: {  	[sflag:s19] =	ssyncadd.s32 $0xFFFFC000  }
0x77: {  	_ =	swait.ge [sflag:s19], $0x4000  }
0x78: {  	[sflag:s19] =	ssyncset.done $0x0  }
0x79: {  	[sflag:s19] =	ssyncadd.s32 $0xFFFFC000  }
0x7a: {  	_ =	swait.ge [sflag:s19], $0x4000  }
0x7b: {  	s31 =	rddreg [dreg:$0x3];
	[sflag:s19] =	ssyncset.done $0x0  }
0x7c: {  	[sflag:s19] =	ssyncadd.s32 $0xFFFFC000;
	s26 =	sadd.s32 s22, s31  }
0x7d: {  	[hbm4b:s26+s2] =	stream.linear.scatter [tilespmem:s12], [sflag:$0x2], $0x4000, $0x38;
	[tilespmem:$0x1EA00] =	vst v63  }
0x7e: {  	s28 =	sadd.s32 s22, s9  }
0x7f: {  	[hbm4b:s28+s2] =	stream.linear.scatter [tilespmem:s13], [sflag:$0x2], $0x4000, $0x38;
	[tilespmem:$0x1EA00] =	vst v63  }
0x80: {  	s29 =	sadd.s32 s22, s8  }
0x81: {  	[hbm4b:s29+s2] =	stream.linear.scatter [tilespmem:s14], [sflag:$0x2], $0x4000, $0x38;
	[tilespmem:$0x1EA00] =	vst v63  }
0x82: {  	s30 =	sadd.s32 s22, s7  }
0x83: {  	[hbm4b:s30+s2] =	stream.linear.scatter [tilespmem:s15], [sflag:$0x2], $0x4000, $0x38;
	[tilespmem:$0x1EA00] =	vst v63  }
0x84: {  	s31 =	sadd.s32 s22, s6;
	s28 =	rddreg [dreg:$0x5]  }
0x85: {  	[hbm4b:s31+s2] =	stream.linear.scatter [tilespmem:s16], [sflag:$0x2], $0x4000, $0x38;
	[tilespmem:$0x1EA00] =	vst v63  }
0x86: {  	s29 =	rddreg [dreg:$0x4];
	s30 =	sadd.s32 s22, s28  }
0x87: {  	[hbm4b:s30+s2] =	stream.linear.scatter [tilespmem:s17], [sflag:$0x2], $0x4000, $0x38;
	[tilespmem:$0x1EA00] =	vst v63  }
0x88: {  	s31 =	sadd.s32 s22, s29  }
0x89: {  	[hbm4b:s31+s2] =	stream.linear.scatter [tilespmem:s18], [sflag:$0x2], $0x4000, $0x38;
	[tilespmem:$0x1EA00] =	vst v63  }
0x8a: {  	_ =	swait.ge [sflag:s20], $0x4000  }
0x8b: {  	[sflag:s20] =	ssyncset.done $0x0  }
0x8c: {  	[sflag:s20] =	ssyncadd.s32 $0xFFFFC000  }
0x8d: {  	_ =	swait.ge [sflag:s20], $0x4000  }
0x8e: {  	[sflag:s20] =	ssyncset.done $0x0  }
0x8f: {  	[sflag:s20] =	ssyncadd.s32 $0xFFFFC000  }
0x90: {  	_ =	swait.ge [sflag:s20], $0x4000  }
0x91: {  	[sflag:s20] =	ssyncset.done $0x0  }
0x92: {  	[sflag:s20] =	ssyncadd.s32 $0xFFFFC000  }
0x93: {  	_ =	swait.ge [sflag:s20], $0x4000  }
0x94: {  	[sflag:s20] =	ssyncset.done $0x0  }
0x95: {  	[sflag:s20] =	ssyncadd.s32 $0xFFFFC000  }
0x96: {  	_ =	swait.ge [sflag:s20], $0x4000  }
0x97: {  	[sflag:s20] =	ssyncset.done $0x0  }
0x98: {  	p0 =	sne.s32 s24, $0x26800;
	[sflag:s20] =	ssyncadd.s32 $0xFFFFC000  }
.Ltmp0:
0x99: {  	_ =	swait.ge [sflag:s20], $0x4000;
	(pc) =	sbr.rel @p0 .LBB2_2-.Ltmp0, $4  }
0x9a: {  	[sflag:s20] =	ssyncset.done $0x0  }
0x9b: {  	[sflag:s20] =	ssyncadd.s32 $0xFFFFC000  }
0x9c: {  	s25 =	smov.u32 s24;
	s24 =	sadd.s32 $0x3800, s24;
	_ =	swait.ge [sflag:s20], $0x4000  }
0x9d: {  	s23 =	sadd.s32 $0x380, s23;
	s22 =	smov.u32 s25;
	[sflag:s20] =	ssyncset.done $0x0  }
0x9e: {  	s24 =	sadd.s32 $0xFFFFFD00, s23;
	[sflag:s20] =	ssyncadd.s32 $0xFFFFC000  }
0x9f: {  	[tilespmem:s12], [sflag:$0x1] =	stream.indirect.gather [hbm4b:s3+s11], $0x80, s24, s11, $0xb8;
	[tilespmem:$0x1EA00] =	vst v63  }
0xa0: {  	s25 =	sadd.s32 $0xFFFFFD80, s23  }
0xa1: {  	[tilespmem:s13], [sflag:$0x1] =	stream.indirect.gather [hbm4b:s3+s11], $0x80, s25, s11, $0xb8;
	[tilespmem:$0x1EA00] =	vst v63  }
0xa2: {  	s26 =	sadd.s32 $0xFFFFFE00, s23  }
0xa3: {  	[tilespmem:s14], [sflag:$0x1] =	stream.indirect.gather [hbm4b:s3+s11], $0x80, s26, s11, $0xb8;
	[tilespmem:$0x1EA00] =	vst v63  }
0xa4: {  	s28 =	sadd.s32 $0xFFFFFE80, s23  }
0xa5: {  	[tilespmem:s15], [sflag:$0x1] =	stream.indirect.gather [hbm4b:s3+s11], $0x80, s28, s11, $0xb8;
	[tilespmem:$0x1EA00] =	vst v63  }
0xa6: {  	s29 =	sadd.s32 $0xFFFFFF00, s23  }
0xa7: {  	[tilespmem:s16], [sflag:$0x1] =	stream.indirect.gather [hbm4b:s3+s11], $0x80, s29, s11, $0xb8;
	[tilespmem:$0x1EA00] =	vst v63  }
0xa8: {  	s30 =	sadd.s32 $0xFFFFFF80, s23  }
0xa9: {  	[tilespmem:s17], [sflag:$0x1] =	stream.indirect.gather [hbm4b:s3+s11], $0x80, s30, s11, $0xb8;
	[tilespmem:$0x1EA00] =	vst v63  }
0xaa: {  	_ = 	snop  }
0xab: {  	[tilespmem:s18], [sflag:$0x1] =	stream.indirect.gather [hbm4b:s3+s11], $0x80, s23, s11, $0xb8;
	[tilespmem:$0x1EA00] =	vst v63  }
0xac: {  	_ =	swait.ge [sflag:s19], $0x4000  }
0xad: {  	[sflag:s19] =	ssyncset.done $0x0  }
0xae: {  	[sflag:s19] =	ssyncadd.s32 $0xFFFFC000  }
0xaf: {  	_ =	swait.ge [sflag:s19], $0x4000  }
0xb0: {  	[sflag:s19] =	ssyncset.done $0x0  }
0xb1: {  	[sflag:s19] =	ssyncadd.s32 $0xFFFFC000  }
0xb2: {  	_ =	swait.ge [sflag:s19], $0x4000  }
0xb3: {  	[sflag:s19] =	ssyncset.done $0x0  }
0xb4: {  	[sflag:s19] =	ssyncadd.s32 $0xFFFFC000  }
0xb5: {  	_ =	swait.ge [sflag:s19], $0x4000  }
0xb6: {  	[sflag:s19] =	ssyncset.done $0x0  }
0xb7: {  	[sflag:s19] =	ssyncadd.s32 $0xFFFFC000  }
0xb8: {  	_ =	swait.ge [sflag:s19], $0x4000  }
0xb9: {  	[sflag:s19] =	ssyncset.done $0x0  }
0xba: {  	[sflag:s19] =	ssyncadd.s32 $0xFFFFC000  }
0xbb: {  	_ =	swait.ge [sflag:s19], $0x4000  }
0xbc: {  	[sflag:s19] =	ssyncset.done $0x0  }
0xbd: {  	[sflag:s19] =	ssyncadd.s32 $0xFFFFC000  }
0xbe: {  	_ =	swait.ge [sflag:s19], $0x4000  }
0xbf: {  	s31 =	rddreg [dreg:$0x3];
	[sflag:s19] =	ssyncset.done $0x0  }
0xc0: {  	[sflag:s19] =	ssyncadd.s32 $0xFFFFC000;
	s23 =	sadd.s32 s22, s31  }
0xc1: {  	[hbm4b:s23+s2] =	stream.linear.scatter [tilespmem:s12], [sflag:$0x2], $0x4000, $0x38;
	[tilespmem:$0x1EA00] =	vst v63  }
0xc2: {  	s24 =	sadd.s32 s22, s9  }
0xc3: {  	[hbm4b:s24+s2] =	stream.linear.scatter [tilespmem:s13], [sflag:$0x2], $0x4000, $0x38;
	[tilespmem:$0x1EA00] =	vst v63  }
0xc4: {  	s25 =	sadd.s32 s22, s8  }
0xc5: {  	[hbm4b:s25+s2] =	stream.linear.scatter [tilespmem:s14], [sflag:$0x2], $0x4000, $0x38;
	[tilespmem:$0x1EA00] =	vst v63  }
0xc6: {  	s26 =	sadd.s32 s22, s7  }
0xc7: {  	[hbm4b:s26+s2] =	stream.linear.scatter [tilespmem:s15], [sflag:$0x2], $0x4000, $0x38;
	[tilespmem:$0x1EA00] =	vst v63  }
0xc8: {  	s29 =	sadd.s32 s22, s6;
	s28 =	rddreg [dreg:$0x5]  }
0xc9: {  	[hbm4b:s29+s2] =	stream.linear.scatter [tilespmem:s16], [sflag:$0x2], $0x4000, $0x38;
	[tilespmem:$0x1EA00] =	vst v63  }
0xca: {  	s30 =	sadd.s32 s22, s28;
	s25 =	rddreg [dreg:$0x4]  }
0xcb: {  	[hbm4b:s30+s2] =	stream.linear.scatter [tilespmem:s17], [sflag:$0x2], $0x4000, $0x38;
	[tilespmem:$0x1EA00] =	vst v63  }
0xcc: {  	s31 =	sadd.s32 s22, s25  }
0xcd: {  	[hbm4b:s31+s2] =	stream.linear.scatter [tilespmem:s18], [sflag:$0x2], $0x4000, $0x38;
	[tilespmem:$0x1EA00] =	vst v63  }
0xce: {  	_ =	swait.ge [sflag:s20], $0x4000  }
0xcf: {  	[sflag:s20] =	ssyncset.done $0x0  }
0xd0: {  	[sflag:s20] =	ssyncadd.s32 $0xFFFFC000  }
0xd1: {  	_ =	swait.ge [sflag:s20], $0x4000  }
0xd2: {  	[sflag:s20] =	ssyncset.done $0x0  }
0xd3: {  	[sflag:s20] =	ssyncadd.s32 $0xFFFFC000  }
0xd4: {  	_ =	swait.ge [sflag:s20], $0x4000  }
0xd5: {  	[sflag:s20] =	ssyncset.done $0x0  }
0xd6: {  	[sflag:s20] =	ssyncadd.s32 $0xFFFFC000  }
0xd7: {  	_ =	swait.ge [sflag:s20], $0x4000  }
0xd8: {  	[sflag:s20] =	ssyncset.done $0x0  }
0xd9: {  	[sflag:s20] =	ssyncadd.s32 $0xFFFFC000  }
0xda: {  	_ =	swait.ge [sflag:s20], $0x4000  }
0xdb: {  	[sflag:s20] =	ssyncset.done $0x0  }
0xdc: {  	s21 =	sadd.s32 $0x1, s21;
	[sflag:s20] =	ssyncadd.s32 $0xFFFFC000  }
0xdd: {  	p0 =	sne.s32 s21, s5;
	_ =	swait.ge [sflag:s20], $0x4000  }
.Ltmp1:
0xde: {  	[sflag:s20] =	ssyncset.done $0x0;
	(pc) =	sbr.rel @p0 .LBB2_1-.Ltmp1, $4  }
0xdf: {  	[sflag:s20] =	ssyncadd.s32 $0xFFFFC000  }
0xe0: {  	_ =	swait.ge [sflag:s20], $0x4000  }
0xe1: {  	[sflag:s20] =	ssyncset.done $0x0  }
0xe2: {  	[sflag:s20] =	ssyncadd.s32 $0xFFFFC000  }
0xe3: {  	_ =	sfence.sel $0x180000  }
0xe4: {  	[bflag:$0x0] =	sbarrier.arrive $0xFFFF  }
0xe5: {  	p0 =	sne.s32 s1, $0x0;
	_ =	strace $0x9000004A  }
0xe6: {  	s0 =	sadd.s32 @!p0 $0x100000, s0;
	[bflag:$0x2] =	sbarrier.arrive $0xFFFF  }
0xe7: {  	[sflag:s0] =	ssyncadd.tile.s32 @!p0 $0x1;
	_ =	shalt  }
.Lfunc_end2:
_tile_overlayer_lowered:
.L_overlay_start_2:
0xe8: {  	(tag) =	ssettag $0x2  }
0xe9: {  	s0 =	rddreg [dreg:$0x0];
	s2 =	stileid.u32  }
0xea: {  	s1 =	rddreg [dreg:$0x1];
	p0 =	sne.s32 s2, $0x0  }
0xeb: {  	s3 =	rddreg [dreg:$0x2];
	[bflag:$0x3] =	sbarrier.arrive $0xFFFF;
	s2 =	simm.s32 @!p0 $0x1C03  }
0xec: {  	[timem:s3], [sflag:s2] =	dma.local @!p0 [hbm:s0], s1  }
0xed: {  	s0 =	simm.s32 @!p0 $0x3  }
0xee: {  	_ =	swait.ge @!p0 [sflag:s0], s1  }
0xef: {  	s1 =	ssub.s32 @!p0 $0x0, s1;
	[sflag:s0] =	ssyncset.done @!p0 $0x0  }
0xf0: {  	[sflag:s0] =	ssyncadd.s32 @!p0 s1  }
0xf1: {  	[bflag:$0x3] =	sbarrier.arrive $0xFFFF  }
0xf2: {  	_ =	shalt  }

// kernel: kernel.8.cloned.1.call-start
scs
__scs_entry_jumppad:
0x0: {  	(pc) =	sbr.rel $0x88, $3  }
0x1: {  	(tag) =	ssettag $0x0;
	lr =	simm.s32 $0x1  }
0x2: {  	[smem:$0x3F9C] =	sst lr;
	_ =	strace $0xD0000000  }
0x3: {  	_ = 	snop  }
0x4: {  	_ = 	snop  }
0x5: {  	_ = 	snop  }
0x6: {  	_ = 	snop  }
0x7: {  	_ = 	snop  }
__scs_overlays_trampoline_lowered:
0x8: {  	[smem:$0x3FAB] =	sst s0  }
0x9: {  	[smem:$0x3FAC] =	sst s1  }
0xa: {  	[smem:$0x3FAD] =	sst s2  }
0xb: {  	[smem:$0x3FAE] =	sst s3  }
0xc: {  	[smem:$0x3FAF] =	sst s4  }
0xd: {  	[smem:$0x3FB0] =	sst s5  }
0xe: {  	[smem:$0x3FB1] =	sst s6  }
0xf: {  	[smem:$0x3FB2] =	sst s7  }
0x10: {  	[smem:$0x3FB3] =	sst s8  }
0x11: {  	[smem:$0x3FB4] =	sst s9;
	s0 =	simm.s32 @!p0 $0x0  }
0x12: {  	s1 =	sld [smem:$0x3F9A];
	s0 =	simm.s32 @p0 $0x1  }
0x13: {  	[smem:$0x3FB5] =	sst s0;
	s0 =	simm.s32 @!p1 $0x0  }
0x14: {  	s2 =	sld [smem:$0x3F99];
	s0 =	simm.s32 @p1 $0x1  }
0x15: {  	[smem:$0x3FB6] =	sst s0;
	s0 =	simm.s32 @!p2 $0x0  }
0x16: {  	s3 =	sld [smem:$0x3FDB];
	s0 =	simm.s32 @p2 $0x1  }
0x17: {  	s4 =	simm.s32 $0x1BF5;
	[smem:$0x3FB8] =	sst s0  }
0x18: {  	s0 =	sld [smem:$0x3F9B];
	_ =	swait.ge [sflag:s4], $0x0  }
0x19: {  	s7 =	sld [smem:$0x3F9C]  }
0x1a: {  	s8 =	sadd.s32 $0xFFFFE003, lr  }
0x1b: {  	s9 =	sadd.s32 $0xFFFFFEF7, lr;
	s5 =	simm.s32 $0xFFFFFFFF;
	p2 =	slt.u32 s8, $0xFFFFF086  }
0x1c: {  	p1 =	slt.u32 s9, $0xF7A;
	s5 =	simm.s32 @!p2 $0x0  }
0x1d: {  	s5 =	simm.s32 @p1 $0x1;
	p0 =	seq.s32 s7, s2  }
0x1e: {  	s7 =	smul.u32 @!p0 $0xF7A, s2;
	p2 =	seq.s32 @!p0 s5, $0x0  }
0x1f: {  	s9 =	smul.u32 $0xF7A, s1;
	s8 =	simm.s32 @!p0 $0x1BF5;
	p2 =	por !p2, p0  }
0x20: {  	[sflag:s8] =	ssyncset.s32 @!p0 $0xFFFFF086;
	s6 =	sadd.s32 @!p0 s3, s7;
	s7 =	simm.s32 @!p0 $0x108  }
0x21: {  	s3 =	sadd.s32 s3, s9;
	s6 =	sadd.s32 @!p0 $0x88, s6;
	s7 =	simm.s32 @p2 $0x1082  }
0x22: {  	[simem:s7], [sflag:s8] =	dma.local @!p0 [hbm:s6], $0xF7A  }
0x23: {  	s9 =	sor.u32 $0xD0000000, s2;
	s6 =	simm.s32 $0x108;
	_ =	swait.ge @!p0 [sflag:s8], $0x0  }
0x24: {  	s3 =	sadd.s32 $0x88, s3;
	s6 =	simm.s32 @!p1 $0x1082;
	[sflag:s4] =	ssyncset.s32 $0xFFFFF086  }
0x25: {  	[simem:s6], [sflag:s4] =	dma.local [hbm:s3], $0xF7A  }
0x26: {  	[smem:$0x3F9C] =	sst s1;
	(tag) =	ssettag s2;
	_ =	strace s9  }
0x27: {  	s1 =	sld [smem:$0x3FAC]  }
0x28: {  	s2 =	sld [smem:$0x3FAD]  }
0x29: {  	s4 =	sld [smem:$0x3FAF]  }
0x2a: {  	p0 =	seq.s32 s5, $0x0;
	s5 =	sld [smem:$0x3FB0]  }
0x2b: {  	s6 =	sld [smem:$0x3FB1]  }
0x2c: {  	s7 =	sld [smem:$0x3FB2]  }
0x2d: {  	s3 =	simm.s32 $0x108;
	s8 =	sld [smem:$0x3FB3]  }
0x2e: {  	s3 =	simm.s32 @!p0 $0x1082;
	s9 =	sld [smem:$0x3FB4]  }
0x2f: {  	lr =	sadd.s32 s0, s3;
	s0 =	sld [smem:$0x3FAB]  }
0x30: {  	s3 =	sld [smem:$0x3FAE]  }
0x31: {  	[smem:$0x3FB7] =	sst s10  }
0x32: {  	s10 =	sld [smem:$0x3FB5];
	_ =	sdelay $0x3  }
0x33: {  	p0 =	seq.s32 s10, $0x1;
	s10 =	sld [smem:$0x3FB7];
	_ =	sdelay $0x3  }
0x34: {  	[smem:$0x3FB7] =	sst s10  }
0x35: {  	s10 =	sld [smem:$0x3FB6];
	_ =	sdelay $0x3  }
0x36: {  	p1 =	seq.s32 s10, $0x1;
	s10 =	sld [smem:$0x3FB7];
	_ =	sdelay $0x3  }
0x37: {  	[smem:$0x3FB7] =	sst s10  }
0x38: {  	s10 =	sld [smem:$0x3FB8]  }
0x39: {  	_ = 	snop;
	(pc) =	sbr.ind lr, $3  }
0x3a: {  	_ = 	snop  }
0x3b: {  	_ = 	snop  }
0x3c: {  	p2 =	seq.s32 s10, $0x1;
	s10 =	sld [smem:$0x3FB7]  }
0x3d: {  	_ =	shalt  }
0x3e: {  	_ =	shalt  }
0x3f: {  	_ =	shalt  }
0x40: {  	_ =	shalt  }
0x41: {  	_ =	shalt  }
0x42: {  	_ =	shalt  }
0x43: {  	_ =	shalt  }
0x44: {  	_ =	shalt  }
0x45: {  	_ =	shalt  }
0x46: {  	_ =	shalt  }
0x47: {  	_ =	shalt  }
0x48: {  	_ =	shalt  }
0x49: {  	_ =	shalt  }
0x4a: {  	_ =	shalt  }
0x4b: {  	_ =	shalt  }
0x4c: {  	_ =	shalt  }
0x4d: {  	_ =	shalt  }
0x4e: {  	_ =	shalt  }
0x4f: {  	_ =	shalt  }
0x50: {  	_ =	shalt  }
0x51: {  	_ =	shalt  }
0x52: {  	_ =	shalt  }
0x53: {  	_ =	shalt  }
0x54: {  	_ =	shalt  }
0x55: {  	_ =	shalt  }
0x56: {  	_ =	shalt  }
0x57: {  	_ =	shalt  }
0x58: {  	_ =	shalt  }
0x59: {  	_ =	shalt  }
0x5a: {  	_ =	shalt  }
0x5b: {  	_ =	shalt  }
0x5c: {  	_ =	shalt  }
0x5d: {  	_ =	shalt  }
0x5e: {  	_ =	shalt  }
0x5f: {  	_ =	shalt  }
0x60: {  	_ =	shalt  }
0x61: {  	_ =	shalt  }
0x62: {  	_ =	shalt  }
0x63: {  	_ =	shalt  }
0x64: {  	_ =	shalt  }
0x65: {  	_ =	shalt  }
0x66: {  	_ =	shalt  }
0x67: {  	_ =	shalt  }
0x68: {  	_ =	shalt  }
0x69: {  	_ =	shalt  }
0x6a: {  	_ =	shalt  }
0x6b: {  	_ =	shalt  }
0x6c: {  	_ =	shalt  }
0x6d: {  	_ =	shalt  }
0x6e: {  	_ =	shalt  }
0x6f: {  	_ =	shalt  }
0x70: {  	_ =	shalt  }
0x71: {  	_ =	shalt  }
0x72: {  	_ =	shalt  }
0x73: {  	_ =	shalt  }
0x74: {  	_ =	shalt  }
0x75: {  	_ =	shalt  }
0x76: {  	_ =	shalt  }
0x77: {  	_ =	shalt  }
0x78: {  	_ =	shalt  }
0x79: {  	_ =	shalt  }
0x7a: {  	_ =	shalt  }
0x7b: {  	_ =	shalt  }
0x7c: {  	_ =	shalt  }
0x7d: {  	_ =	shalt  }
0x7e: {  	_ =	shalt  }
0x7f: {  	_ =	shalt  }
0x80: {  	_ =	shalt  }
0x81: {  	_ =	shalt  }
0x82: {  	_ =	shalt  }
0x83: {  	_ =	shalt  }
0x84: {  	_ =	shalt  }
0x85: {  	_ =	shalt  }
0x86: {  	_ =	shalt  }
0x87: {  	_ =	shalt  }
.Lfunc_end0:
.L_simem_size_0:
called_computation.1_lowered:
.L_overlay_start_0:
0x88: {  	s2 =	sld [smem:$0x3FD9]  }
0x89: {  	s3 =	sld [smem:$0x3FFE];
	_ =	sdelay $0x1  }
0x8a: {  	s1 =	srdreg.scid  }
0x8b: {  	s0 =	sand.u32 $0x1, s1  }
0x8c: {  	s17 =	sshll.u32 s0, $0xA;
	s2 =	sadd.s32 s3, s2  }
0x8d: {  	s2 =	sadd.s32 s2, s17  }
0x8e: {  	[smem:$0x3FC3] =	sst s2  }
0x8f: {  	_ = 	snop  }
0x90: {  	s2 =	sld [smem:$0x3FC7];
	(tm) =	ssettm $0x1  }
0x91: {  	s18 =	sld [smem:$0x3FFB];
	_ =	sdelay $0x3  }
0x92: {  	_ =	strace s18  }
0x93: {  	s3 =	sld [smem:$0x3FFC];
	_ =	sdelay $0x3  }
0x94: {  	_ =	strace s3  }
0x95: {  	s3 =	sld [smem:$0x3FFD];
	_ =	sdelay $0x3  }
0x96: {  	_ =	strace s3  }
0x97: {  	_ =	strace $0x8FFFFFFF  }
0x98: {  	s19 =	sld [smem:$0x3FDB];
	_ =	sdelay $0x1  }
0x99: {  	s4 =	simm.s32 $_scs_section_size  }
0x9a: {  	s5 =	simm.s32 $_size__tile_overlayer_lowered;
	s6 =	simm.s32 $_tile_overlayer_lowered  }
0x9b: {  	s22 =	simm.s32 $0x1BFF;
	s21 =	sshll.u32 s6, $0x1;
	s3 =	sadd.s32 s4, s19  }
0x9c: {  	s7 =	simm.s32 $0x0;
	s20 =	sshll.u32 s5, $0x1;
	s5 =	sadd.s32 s21, s3  }
0x9d: {  	[timem:s7], [sflag:s22] =	dma.local [hbm:s5], s20  }
0x9e: {  	_ =	swait.ge [sflag:s22], s20  }
0x9f: {  	s4 =	ssub.s32 $0x0, s20;
	[sflag:s22] =	ssyncset.done $0x0  }
0xa0: {  	[sflag:s22] =	ssyncadd.s32 s4;
	_ =	sdelay $0x1  }
0xa1: {  	s23 =	simm.s32 $0x1B8B  }
0xa2: {  	_ =	swait.ge [sflag:s23], $0x1  }
0xa3: {  	[sflag:s23] =	ssyncset.done $0x0  }
0xa4: {  	s25 =	simm.s32 $0x1B8E;
	s24 =	sld [smem:$0x3FFE];
	[sflag:s23] =	ssyncadd.s32 $0xFFFFFFFF  }
0xa5: {  	s26 =	simm.s32 $execute0_lowered;
	[smem:$0x3FD2] =	sst s25  }
0xa6: {  	s5 =	sshll.u32 s26, $0x1;
	_ =	strace $0x80000046;
	[dreg:$0x1] =	wrdreg $0xFFFFFFFF  }
0xa7: {  	s28 =	simm.s32 $_size_execute0_lowered;
	s3 =	sadd.s32 s3, s5;
	[dreg:$0x0] =	wrdreg $0x0  }
0xa8: {  	s5 =	sshll.u32 s28, $0x1;
	[dreg:$0x2] =	wrdreg s3  }
0xa9: {  	[dreg:$0x3] =	wrdreg s5  }
0xaa: {  	[dreg:$0x4] =	wrdreg $0xC0  }
0xab: {  	_ =	task [dreg:s7], $0x5FFFF  }
0xac: {  	[dreg:$0x1] =	wrdreg $0xFFFFFFFF  }
0xad: {  	[dreg:$0x0] =	wrdreg $0x60  }
0xae: {  	[dreg:$0x2] =	wrdreg s24  }
0xaf: {  	[dreg:$0x3] =	wrdreg s2  }
0xb0: {  	[dreg:$0x4] =	wrdreg $0xA  }
0xb1: {  	_ =	task.clear_ibuf [dreg:s7], $0x5FFFF;
	_ =	strace $0x90000046  }
0xb2: {  	s29 =	simm.s32 $0xA;
	_ =	strace $0x80000048  }
0xb3: {  	_ =	swait.ge [sflag:s29], $0x1  }
0xb4: {  	[sflag:s29] =	ssyncadd.s32 $0xFFFFFFFF  }
0xb5: {  	_ =	strace $0x90000048  }
0xb6: {  	_ =	sfence  }
0xb7: {  	s30 =	sld [smem:$0x0];
	_ =	sdelay $0x2  }
0xb8: {  	s31 =	sshll.u32 s1, $0xD;
	s1 =	sshrl.u32 s1, $0x2  }
0xb9: {  	s3 =	sand.u32 $0x4000, s31;
	s1 =	sadd.s32 s1, s30  }
0xba: {  	s0 =	sor.u32 s3, s0;
	s1 =	sshll.u32 s1, $0x11  }
0xbb: {  	s0 =	sor.u32 s1, s0  }
0xbc: {  	s0 =	sadd.s32 $0x8F2B, s0  }
0xbd: {  	[sflag:s0] =	ssyncadd.remote.s32 $0x1  }
0xbe: {  	_ =	sfence.sel $0xFFFF  }
0xbf: {  	[dreg:$0x0] =	wrdreg $0xFFFFFFFF;
	(pc) =	sbr.abs _section_cstart, $3  }
0xc0: {  	[dreg:$0x1] =	wrdreg $0xFFFFFFFF  }
0xc1: {  	_ =	task.clear_ibuf [dreg:s7], $0x2FFFF;
	_ =	strace $0x9FFFFFFF  }
0xc2: {  	(tm) =	ssettm $0x7FFFFFFF  }
0xc3: {  	_ =	shalt  }
tec
execute0_lowered:
.L_overlay_start_1:
0x0: {  	(tag) =	ssettag $0x1  }
0x1: {  	s1 =	srdreg.scid  }
0x2: {  	s14 =	rddreg [dreg:$0x0];
	s0 =	stileid.u32;
	s19 =	sand.u32 $0x1, s1  }
0x3: {  	s3 =	rddreg [dreg:$0x1];
	s4 =	sshll.u32 s0, $0xA;
	s5 =	sshll.u32 s19, $0x9  }
0x4: {  	s2 =	simm.s32 $0x0;
	s1 =	rddreg [dreg:$0x2];
	s15 =	sor.u32 s5, s4  }
0x5: {  	[smem:$0x7FF] =	sst s2;
	s4 =	sshrl.u32 s15, $0x3  }
0x6: {  	_ =	strace $0x80000047;
	s3 =	sadd.s32 s3, s4;
	s4 =	simm.s32 $0x3  }
0x7: {  	[tilespmem:s2], [sflag:$0x3] =	stream.linear.gather [hbm4b:s3+s2], $0x200, $0x38;
	[tilespmem:$0x10200] =	vst v63  }
0x8: {  	_ =	swait.ge [sflag:s4], $0x200  }
0x9: {  	s6 =	simm.s32 $0x80;
	[sflag:s4] =	ssyncset.done $0x0  }
0xa: {  	s7 =	simm.s32 $0x200;
	s5 =	sadd.s32 $0xF43400, s14;
	[sflag:s4] =	ssyncadd.s32 $0xFFFFFE00  }
0xb: {  	[tilespmem:s7], [sflag:$0x1] =	stream.indirect.gather [hbm4b:s5+s6], $0x80, s2, s6, $0xb8;
	[tilespmem:$0x10200] =	vst v63  }
0xc: {  	s8 =	simm.s32 $0x4200  }
0xd: {  	[tilespmem:s8], [sflag:$0x1] =	stream.indirect.gather [hbm4b:s5+s6], $0x80, s6, s6, $0xb8;
	[tilespmem:$0x10200] =	vst v63  }
0xe: {  	s9 =	simm.s32 $0x100;
	s10 =	simm.s32 $0x8200  }
0xf: {  	[tilespmem:s10], [sflag:$0x1] =	stream.indirect.gather [hbm4b:s5+s6], $0x80, s9, s6, $0xb8;
	[tilespmem:$0x10200] =	vst v63  }
0x10: {  	s11 =	simm.s32 $0x180;
	s12 =	simm.s32 $0xC200;
	s13 =	simm.s32 $0x1  }
0x11: {  	[tilespmem:s12], [sflag:$0x1] =	stream.indirect.gather [hbm4b:s5+s6], $0x80, s11, s6, $0xb8;
	[tilespmem:$0x10200] =	vst v63  }
0x12: {  	_ =	swait.ge [sflag:s13], $0x4000  }
0x13: {  	[sflag:s13] =	ssyncset.done $0x0  }
0x14: {  	[sflag:s13] =	ssyncadd.s32 $0xFFFFC000  }
0x15: {  	_ =	swait.ge [sflag:s13], $0x4000  }
0x16: {  	[sflag:s13] =	ssyncset.done $0x0  }
0x17: {  	[sflag:s13] =	ssyncadd.s32 $0xFFFFC000  }
0x18: {  	_ =	swait.ge [sflag:s13], $0x4000  }
0x19: {  	[sflag:s13] =	ssyncset.done $0x0  }
0x1a: {  	[sflag:s13] =	ssyncadd.s32 $0xFFFFC000  }
0x1b: {  	s15 =	sshll.u32 s15, $0x4;
	_ =	swait.ge [sflag:s13], $0x4000  }
0x1c: {  	s17 =	sadd.s32 s15, s14;
	[sflag:s13] =	ssyncset.done $0x0  }
0x1d: {  	s14 =	sadd.s32 $0x1000, s17;
	[sflag:s13] =	ssyncadd.s32 $0xFFFFC000  }
0x1e: {  	[hbm4b:s14+s2] =	stream.linear.scatter [tilespmem:s7], [sflag:$0x2], $0x4000, $0x38;
	[tilespmem:$0x10200] =	vst v63  }
0x1f: {  	s15 =	sadd.s32 $0x1800, s17  }
0x20: {  	[hbm4b:s15+s2] =	stream.linear.scatter [tilespmem:s8], [sflag:$0x2], $0x4000, $0x38;
	[tilespmem:$0x10200] =	vst v63  }
0x21: {  	s16 =	sadd.s32 $0x2000, s17  }
0x22: {  	[hbm4b:s16+s2] =	stream.linear.scatter [tilespmem:s10], [sflag:$0x2], $0x4000, $0x38;
	[tilespmem:$0x10200] =	vst v63  }
0x23: {  	s18 =	sadd.s32 $0x2800, s17;
	s17 =	simm.s32 $0x2  }
0x24: {  	[hbm4b:s18+s2] =	stream.linear.scatter [tilespmem:s12], [sflag:$0x2], $0x4000, $0x38;
	[tilespmem:$0x10200] =	vst v63  }
0x25: {  	_ =	swait.ge [sflag:s17], $0x4000  }
0x26: {  	s19 =	ssub.s32 $0x2, s19;
	[sflag:s17] =	ssyncset.done $0x0  }
0x27: {  	s20 =	sshrl.u32 s19, $0x1;
	[sflag:s17] =	ssyncadd.s32 $0xFFFFC000  }
0x28: {  	s19 =	ssub.s32 s19, s20;
	_ =	swait.ge [sflag:s17], $0x4000  }
0x29: {  	s19 =	smax.u32 s19, $0x1;
	[sflag:s17] =	ssyncset.done $0x0  }
0x2a: {  	p0 =	sne.s32 s19, $0x1;
	[sflag:s17] =	ssyncadd.s32 $0xFFFFC000  }
.Ltmp0:
0x2b: {  	_ =	swait.ge [sflag:s17], $0x4000;
	(pc) =	sbr.rel @!p0 .LBB2_2-.Ltmp0, $4  }
0x2c: {  	[sflag:s17] =	ssyncset.done $0x0  }
0x2d: {  	[sflag:s17] =	ssyncadd.s32 $0xFFFFC000  }
0x2e: {  	_ =	swait.ge [sflag:s17], $0x4000  }
0x2f: {  	s19 =	sadd.s32 $0xFFFFFFFF, s19;
	[sflag:s17] =	ssyncset.done $0x0  }
.LBB2_1:
0x30: {  	p0 =	sne.s32 s19, $0x1;
	s19 =	sadd.s32 $0xFFFFFFFF, s19;
	[sflag:s17] =	ssyncadd.s32 $0xFFFFC000  }
0x31: {  	[tilespmem:s2], [sflag:$0x3] =	stream.linear.gather [hbm4b:s3+s2], $0x200, $0x38;
	[tilespmem:$0x10200] =	vst v63  }
0x32: {  	_ =	swait.ge [sflag:s4], $0x200  }
0x33: {  	[sflag:s4] =	ssyncset.done $0x0  }
0x34: {  	[sflag:s4] =	ssyncadd.s32 $0xFFFFFE00  }
0x35: {  	[tilespmem:s7], [sflag:$0x1] =	stream.indirect.gather [hbm4b:s5+s6], $0x80, s2, s6, $0xb8;
	[tilespmem:$0x10200] =	vst v63  }
0x36: {  	_ = 	snop  }
0x37: {  	[tilespmem:s8], [sflag:$0x1] =	stream.indirect.gather [hbm4b:s5+s6], $0x80, s6, s6, $0xb8;
	[tilespmem:$0x10200] =	vst v63  }
0x38: {  	_ = 	snop  }
0x39: {  	[tilespmem:s10], [sflag:$0x1] =	stream.indirect.gather [hbm4b:s5+s6], $0x80, s9, s6, $0xb8;
	[tilespmem:$0x10200] =	vst v63  }
0x3a: {  	_ = 	snop  }
0x3b: {  	[tilespmem:s12], [sflag:$0x1] =	stream.indirect.gather [hbm4b:s5+s6], $0x80, s11, s6, $0xb8;
	[tilespmem:$0x10200] =	vst v63  }
0x3c: {  	_ =	swait.ge [sflag:s13], $0x4000  }
0x3d: {  	[sflag:s13] =	ssyncset.done $0x0  }
0x3e: {  	[sflag:s13] =	ssyncadd.s32 $0xFFFFC000  }
0x3f: {  	_ =	swait.ge [sflag:s13], $0x4000  }
0x40: {  	[sflag:s13] =	ssyncset.done $0x0  }
0x41: {  	[sflag:s13] =	ssyncadd.s32 $0xFFFFC000  }
0x42: {  	_ =	swait.ge [sflag:s13], $0x4000  }
0x43: {  	[sflag:s13] =	ssyncset.done $0x0  }
0x44: {  	[sflag:s13] =	ssyncadd.s32 $0xFFFFC000  }
0x45: {  	_ =	swait.ge [sflag:s13], $0x4000  }
0x46: {  	[sflag:s13] =	ssyncset.done $0x0  }
0x47: {  	[sflag:s13] =	ssyncadd.s32 $0xFFFFC000  }
0x48: {  	[hbm4b:s14+s2] =	stream.linear.scatter [tilespmem:s7], [sflag:$0x2], $0x4000, $0x38;
	[tilespmem:$0x10200] =	vst v63  }
0x49: {  	_ = 	snop  }
0x4a: {  	[hbm4b:s15+s2] =	stream.linear.scatter [tilespmem:s8], [sflag:$0x2], $0x4000, $0x38;
	[tilespmem:$0x10200] =	vst v63  }
0x4b: {  	_ = 	snop  }
0x4c: {  	[hbm4b:s16+s2] =	stream.linear.scatter [tilespmem:s10], [sflag:$0x2], $0x4000, $0x38;
	[tilespmem:$0x10200] =	vst v63  }
0x4d: {  	_ = 	snop  }
0x4e: {  	[hbm4b:s18+s2] =	stream.linear.scatter [tilespmem:s12], [sflag:$0x2], $0x4000, $0x38;
	[tilespmem:$0x10200] =	vst v63  }
0x4f: {  	_ =	swait.ge [sflag:s17], $0x4000  }
0x50: {  	[sflag:s17] =	ssyncset.done $0x0  }
0x51: {  	[sflag:s17] =	ssyncadd.s32 $0xFFFFC000  }
0x52: {  	_ =	swait.ge [sflag:s17], $0x4000  }
0x53: {  	[sflag:s17] =	ssyncset.done $0x0  }
0x54: {  	[sflag:s17] =	ssyncadd.s32 $0xFFFFC000  }
.Ltmp1:
0x55: {  	_ =	swait.ge [sflag:s17], $0x4000;
	(pc) =	sbr.rel @p0 .LBB2_1-.Ltmp1, $4  }
0x56: {  	[sflag:s17] =	ssyncset.done $0x0  }
0x57: {  	[sflag:s17] =	ssyncadd.s32 $0xFFFFC000  }
0x58: {  	_ =	swait.ge [sflag:s17], $0x4000  }
0x59: {  	[sflag:s17] =	ssyncset.done $0x0  }
.LBB2_2:
0x5a: {  	[sflag:s17] =	ssyncadd.s32 $0xFFFFC000  }
0x5b: {  	_ =	sfence.sel $0x180000  }
0x5c: {  	[bflag:$0x0] =	sbarrier.arrive $0xFFFF  }
0x5d: {  	p0 =	sne.s32 s0, $0x0;
	_ =	strace $0x90000047  }
0x5e: {  	s0 =	sadd.s32 @!p0 $0x100000, s1;
	[bflag:$0x2] =	sbarrier.arrive $0xFFFF  }
0x5f: {  	[sflag:s0] =	ssyncadd.tile.s32 @!p0 $0x1;
	_ =	shalt  }
.Lfunc_end2:
_tile_overlayer_lowered:
.L_overlay_start_2:
0x60: {  	(tag) =	ssettag $0x2  }
0x61: {  	s0 =	rddreg [dreg:$0x0];
	s2 =	stileid.u32  }
0x62: {  	s1 =	rddreg [dreg:$0x1];
	p0 =	sne.s32 s2, $0x0  }
0x63: {  	s3 =	rddreg [dreg:$0x2];
	[bflag:$0x3] =	sbarrier.arrive $0xFFFF;
	s2 =	simm.s32 @!p0 $0x1C03  }
0x64: {  	[timem:s3], [sflag:s2] =	dma.local @!p0 [hbm:s0], s1  }
0x65: {  	s0 =	simm.s32 @!p0 $0x3  }
0x66: {  	_ =	swait.ge @!p0 [sflag:s0], s1  }
0x67: {  	s1 =	ssub.s32 @!p0 $0x0, s1;
	[sflag:s0] =	ssyncset.done @!p0 $0x0  }
0x68: {  	[sflag:s0] =	ssyncadd.s32 @!p0 s1  }
0x69: {  	[bflag:$0x3] =	sbarrier.arrive $0xFFFF  }
0x6a: {  	_ =	shalt  }

</sc_bundles>
